<compile_context>
chip_gen: v7x
topology: tpu7x:2x2x1
jax: 0.10.2.dev20260603
libtpu: 0.0.44.dev20260713+nightly
codegen_flags: <defaults>
</compile_context>

<pallas_src>
import functools

import jax
import jax.numpy as jnp
from jax import lax
from jax.experimental import pallas as pl
from jax.experimental.pallas import tpu as pltpu
from jax.experimental.pallas import tpu_sc as plsc

_NC = 2
_NS = 16
_NW = _NC * _NS

_D = 64
_SUB = 128
_CHUNK = 1024

_TB = 7936
_TB2 = _TB // 2
_NTB = 126
_TMAIN = _TB * _NTB
_TAIL = 64


def _in_copy(tab_hbm, scr, isem, j, s):
    return pltpu.make_async_copy(
        tab_hbm.at[:, pl.ds(j * _TB, _TB)], scr.at[s], isem.at[s])


def _out_copy(out_hbm, obuf, osem, j, s):
    return pltpu.make_async_copy(
        obuf.at[s], out_hbm.at[pl.ds(j * _TB2, _TB2)], osem.at[s])


def _pack_table_kernel(tab_hbm, tail_ref, out_hbm, scr, obuf, isem, osem):
    j = pl.program_id(0)
    s = j % 2

    @pl.when(j == 0)
    def _():
        _in_copy(tab_hbm, scr, isem, 0, 0).start()

    @pl.when(j < _NTB - 1)
    def _():
        _in_copy(tab_hbm, scr, isem, j + 1, (j + 1) % 2).start()

    _in_copy(tab_hbm, scr, isem, j, s).wait()

    @pl.when(j >= 2)
    def _():
        _out_copy(out_hbm, obuf, osem, j - 2, s).wait()

    eye = jnp.eye(_D, dtype=jnp.float32)
    t = lax.dot_general(scr[s], eye, (((0,), (0,)), ((), ())))
    obuf[s] = jnp.concatenate([t[:_TB2], t[_TB2:]], axis=1)
    _out_copy(out_hbm, obuf, osem, j, s).start()

    @pl.when(j == _NTB - 1)
    def _():
        _out_copy(out_hbm, obuf, osem, j - 1, (j - 1) % 2).wait()
        _out_copy(out_hbm, obuf, osem, j, s).wait()
        t2 = lax.dot_general(
            tail_ref[...], eye, (((0,), (0,)), ((), ())))
        obuf[0, 0:_TAIL // 2] = jnp.concatenate(
            [t2[:_TAIL // 2], t2[_TAIL // 2:]], axis=1)
        pltpu.make_async_copy(
            obuf.at[0].at[pl.ds(0, _TAIL // 2)],
            out_hbm.at[pl.ds(_TMAIN // 2, _TAIL // 2)],
            isem.at[0],
        ).start()
        pltpu.make_async_copy(
            obuf.at[0].at[pl.ds(0, _TAIL // 2)],
            out_hbm.at[pl.ds(_TMAIN // 2, _TAIL // 2)],
            isem.at[0],
        ).wait()


@functools.lru_cache(maxsize=None)
def _make_pack_table(v: int):
    assert v == _TMAIN + _TAIL
    return pl.pallas_call(
        _pack_table_kernel,
        grid=(_NTB,),
        in_specs=[
            pl.BlockSpec(memory_space=pltpu.MemorySpace.HBM),
            pl.BlockSpec(memory_space=pltpu.MemorySpace.VMEM),
        ],
        out_specs=pl.BlockSpec(memory_space=pltpu.MemorySpace.HBM),
        out_shape=jax.ShapeDtypeStruct((v // 2, 2 * _D), jnp.float32),
        scratch_shapes=[
            pltpu.VMEM((2, _D, _TB), jnp.float32),
            pltpu.VMEM((2, _TB2, 2 * _D), jnp.float32),
            pltpu.SemaphoreType.DMA((2,)),
            pltpu.SemaphoreType.DMA((2,)),
        ],
        compiler_params=pltpu.CompilerParams(
            dimension_semantics=("arbitrary",)),
    )


def _unpack_out_kernel(x_ref, *rest):
    o_ref = rest[-1]
    b2 = x_ref.shape[1]
    eye = jnp.eye(2 * _D, dtype=jnp.float32)
    t = lax.dot_general(eye, x_ref[0], (((1,), (1,)), ((), ())))
    o_ref[0, :, pl.ds(0, b2)] = t[:_D]
    o_ref[0, :, pl.ds(b2, b2)] = t[_D:]


@functools.lru_cache(maxsize=None)
def _make_unpack_out(b: int, h: int, h_total: int, h_off: int, aliased: bool):
    in_specs = [pl.BlockSpec((1, b // 2, 2 * _D), lambda j: (j, 0, 0))]
    if aliased:
        in_specs.append(pl.BlockSpec(memory_space=pltpu.MemorySpace.HBM))
    return pl.pallas_call(
        _unpack_out_kernel,
        grid=(h,),
        in_specs=in_specs,
        out_specs=pl.BlockSpec((1, _D, b), lambda j: (j + h_off, 0, 0)),
        out_shape=jax.ShapeDtypeStruct((h_total, _D, b), jnp.float32),
        input_output_aliases={1: 0} if aliased else {},
        compiler_params=pltpu.CompilerParams(
            dimension_semantics=("arbitrary",)),
    )


@functools.lru_cache(maxsize=None)
def _make_gather(n_total: int):
    assert n_total % _NW == 0
    per_w = n_total // _NW
    chunk = _CHUNK if per_w % _CHUNK == 0 else _CHUNK // 2
    assert per_w % chunk == 0
    n_chunks = per_w // chunk
    n_sub = chunk // _SUB

    mesh = plsc.VectorSubcoreMesh(core_axis_name="c", subcore_axis_name="s")

    @functools.partial(
        pl.kernel,
        out_type=jax.ShapeDtypeStruct((n_total, _D), jnp.float32),
        mesh=mesh,
        scratch_types=[
            pltpu.VMEM((per_w,), jnp.int32),
            pltpu.VMEM((chunk, _D), jnp.float32),
            pltpu.SemaphoreType.DMA,
        ],
        compiler_params=pltpu.CompilerParams(use_tc_tiling_on_sc=False),
    )
    def gather(idx_hbm, table_hbm, out_hbm, idx_v, rows_v, sem):
        wid = lax.axis_index("s") * _NC + lax.axis_index("c")
        base = wid * per_w
        pltpu.sync_copy(idx_hbm.at[pl.ds(base, per_w)], idx_v)

        @pl.loop(0, n_chunks)
        def _chunk(ci):
            off = pl.multiple_of(ci * chunk, chunk)
            cps = []
            for j in range(n_sub):
                cps.append(
                    pltpu.async_copy(
                        table_hbm.at[idx_v.at[pl.ds(off + j * _SUB, _SUB)]],
                        rows_v.at[pl.ds(j * _SUB, _SUB)],
                        sem,
                    )
                )
            for cp in cps:
                cp.wait()
            pltpu.sync_copy(rows_v, out_hbm.at[pl.ds(base + off, chunk)])

    return gather


def kernel(input_seq, embedding_weight):
    b, h = input_seq.shape
    n = b * h
    v = embedding_weight.shape[0]
    idx_hm = input_seq.T.astype(jnp.int32)
    r = jnp.arange(b, dtype=jnp.int32)
    bmap = (r % 2) * (b // 2) + r // 2
    idx = jnp.take(idx_hm, bmap, axis=1).reshape(n)
    j, rem = jnp.divmod(idx, _TB)
    e, p = jnp.divmod(rem, _TB2)
    c = idx - _TMAIN
    idx2 = jnp.where(
        idx < _TMAIN,
        j * _TB + 2 * p + e,
        _TMAIN + 2 * (c % (_TAIL // 2)) + c // (_TAIL // 2),
    )

    tab_t = embedding_weight.T
    tail = lax.slice(tab_t, (0, _TMAIN), (_D, v))
    packed = _make_pack_table(v)(tab_t, tail)
    tab = packed.reshape(v, _D)
    h2 = h // 2
    n2 = n // 2
    idx_a = lax.slice(idx2, (0,), (n2,))
    idx_b = lax.slice(idx2, (n2,), (n,))
    out_a = _make_gather(n2)(idx_a, tab)
    out_b = _make_gather(n2)(idx_b, tab)
    o3_a = out_a.reshape(h2, b // 2, 2 * _D)
    o3_b = out_b.reshape(h2, b // 2, 2 * _D)
    part = _make_unpack_out(b, h2, h, 0, False)(o3_a)
    o_phys = _make_unpack_out(b, h2, h, h2, True)(o3_b, part)
    return o_phys.transpose((2, 0, 1))

# --- scband reference (transcript-rebuilt; emitter-appended) ---
"""Pipeline reference for scband-encoder-base-22256520528782 (READ-ONLY COPY).

The authoritative reference and input builder live on the scoring server;
editing this copy changes nothing except your own understanding.
"""

import jax, jax.numpy as jnp
import numpy as np

VOCAB = 1000000
EMBED_DIM = 64
BATCH = 4096
HIST = 200

def setup_inputs(seed: int = 0) -> dict:
    key = jax.random.key(seed)
    k_idx, k_tab = jax.random.split(key)
    input_seq = jax.random.randint(k_idx, (BATCH, HIST), 0, VOCAB, dtype=jnp.int64 if jax.config.jax_enable_x64 else jnp.int32)
    embedding_weight = jax.random.normal(k_tab, (VOCAB, EMBED_DIM), dtype=jnp.float32)
    return {"input_seq": input_seq, "embedding_weight": embedding_weight}

def reference(input_seq, embedding_weight):
    # EncoderBase.forward: embedded = dropout(embedding(input_seq))
    # dropout is identity in eval mode. self.network is None in the base class,
    # so the reference covers the embedding-lookup stage (the only concrete
    # computation defined by this module).
    embedded = jnp.take(embedding_weight, input_seq, axis=0)
    return embedded

if __name__ == "__main__":
    import jax
    _d = setup_inputs()
    print(jax.jit(kernel)(*tuple(_d.values())))

</pallas_src>

<mosaic_0001>
#map = affine_map<(d0, d1) -> (0)>
#map1 = affine_map<(d0, d1) -> (0, 0)>
module attributes {stable_mosaic.version = 14 : i64} {
  func.func @gather(%arg0: i32, %arg1: i32, %arg2: memref<409600xi32, #tpu.memory_space<hbm>>, %arg3: memref<1000000x64xf32, #tpu.memory_space<hbm>>, %arg4: memref<409600x64xf32, #tpu.memory_space<hbm>>, %arg5: memref<12800xi32, #tpu.memory_space<vmem>>, %arg6: memref<512x64xf32, #tpu.memory_space<vmem>>, %arg7: memref<!tpu.dma_semaphore, #tpu.memory_space<semaphore_mem>>) attributes {dimension_semantics = [#tpu.dimension_semantics<core_parallel>, #tpu.dimension_semantics<subcore_parallel>], iteration_bounds = array<i64: 2, 16>, scalar_prefetch = 0 : i64, scratch_operands = 3 : i64, tpu.core_type = #tpu.core_type<sc_vector_subcore>, window_params = [{transform_indices = #map}, {transform_indices = #map1}, {transform_indices = #map1}]} {
    %mul3A = arith.constant 2 : i32
    %mul3A_0 = arith.muli %arg1, %mul3A : i32
    %add3A = arith.addi %mul3A_0, %arg0 : i32
    %mul3A_1 = arith.constant 12800 : i32
    %mul3A_2 = arith.muli %add3A, %mul3A_1 : i32
    "tpu.region"() ({
      %run_scoped3A = tpu.sem_alloc : memref<!tpu.dma_semaphore, #tpu.memory_space<semaphore_mem>>
      %dma_start3A = tpu.memref_slice %arg2[%mul3A_2] : memref<409600xi32, #tpu.memory_space<hbm>> -> memref<12800xi32, #tpu.memory_space<hbm>>
      %dma_start3A_7 = tpu.memref_slice %arg2[%mul3A_2] : memref<409600xi32, #tpu.memory_space<hbm>> -> memref<12800xi32, #tpu.memory_space<hbm>>
      tpu.enqueue_dma source(%dma_start3A_7 : memref<12800xi32, #tpu.memory_space<hbm>>) target(%arg5 : memref<12800xi32, #tpu.memory_space<vmem>>) target_semaphore(%run_scoped3A : memref<!tpu.dma_semaphore, #tpu.memory_space<semaphore_mem>>)
      %dma_wait3A = tpu.memref_slice %arg2[%mul3A_2] : memref<409600xi32, #tpu.memory_space<hbm>> -> memref<12800xi32, #tpu.memory_space<hbm>>
      %dma_wait3A_8 = tpu.memref_slice %arg2[%mul3A_2] : memref<409600xi32, #tpu.memory_space<hbm>> -> memref<12800xi32, #tpu.memory_space<hbm>>
      tpu.wait_dma2 semaphore(%run_scoped3A : memref<!tpu.dma_semaphore, #tpu.memory_space<semaphore_mem>>) src(%dma_wait3A_8 : memref<12800xi32, #tpu.memory_space<hbm>>) dst(%arg5 : memref<12800xi32, #tpu.memory_space<vmem>>)
      tpu.yield
    }) : () -> ()
    %scan3A = arith.constant 0 : i32
    %scan3A_3 = arith.constant 25 : i32
    %scan3A_4 = arith.addi %scan3A, %scan3A_3 : i32
    %scan3A_5 = arith.constant 1 : i32
    scf.for %scan3A_7 = %scan3A to %scan3A_4 step %scan3A_5  : i32 {
      %mul3A_8 = arith.constant 1 : i32
      %mul3A_9 = arith.muli %scan3A_7, %mul3A_8 : i32
      %add3A_10 = arith.constant 0 : i32
      %add3A_11 = arith.addi %add3A_10, %mul3A_9 : i32
      %mul3A_12 = arith.constant 512 : i32
      %mul3A_13 = arith.muli %add3A_11, %mul3A_12 : i32
      %multiple_of3A = tpu.assume_multiple %mul3A_13, 512 : i32
      %add3A_14 = arith.constant 0 : i32
      %add3A_15 = arith.addi %multiple_of3A, %add3A_14 : i32
      %dma_start3A = arith.constant 0 : i32
      %dma_start3A_16 = arith.constant 0 : i32
      %dma_start3A_17 = tpu.memref_slice %arg6[%dma_start3A, %dma_start3A_16] : memref<512x64xf32, #tpu.memory_space<vmem>> -> memref<128x64xf32, #tpu.memory_space<vmem>>
      %dma_start3A_18 = tpu.memref_slice %arg5[%add3A_15] : memref<12800xi32, #tpu.memory_space<vmem>> -> memref<128xi32, #tpu.memory_space<vmem>>
      %dma_start3A_19 = arith.constant 0 : i32
      %dma_start3A_20 = arith.constant 0 : i32
      %dma_start3A_21 = tpu.memref_slice %arg3[%dma_start3A_19, %dma_start3A_20] : memref<1000000x64xf32, #tpu.memory_space<hbm>> -> memref<1000000x64xf32, #tpu.memory_space<hbm>>
      tpu.enqueue_indirect_dma source(%dma_start3A_21 : memref<1000000x64xf32, #tpu.memory_space<hbm>>) target(%dma_start3A_17 : memref<128x64xf32, #tpu.memory_space<vmem>>) offsets(%dma_start3A_18 : memref<128xi32, #tpu.memory_space<vmem>>) semaphore(%arg7 : memref<!tpu.dma_semaphore, #tpu.memory_space<semaphore_mem>>)
      %add3A_22 = arith.constant 128 : i32
      %add3A_23 = arith.addi %multiple_of3A, %add3A_22 : i32
      %dma_start3A_24 = arith.constant 128 : i32
      %dma_start3A_25 = arith.constant 0 : i32
      %dma_start3A_26 = tpu.memref_slice %arg6[%dma_start3A_24, %dma_start3A_25] : memref<512x64xf32, #tpu.memory_space<vmem>> -> memref<128x64xf32, #tpu.memory_space<vmem>>
      %dma_start3A_27 = tpu.memref_slice %arg5[%add3A_23] : memref<12800xi32, #tpu.memory_space<vmem>> -> memref<128xi32, #tpu.memory_space<vmem>>
      %dma_start3A_28 = arith.constant 0 : i32
      %dma_start3A_29 = arith.constant 0 : i32
      %dma_start3A_30 = tpu.memref_slice %arg3[%dma_start3A_28, %dma_start3A_29] : memref<1000000x64xf32, #tpu.memory_space<hbm>> -> memref<1000000x64xf32, #tpu.memory_space<hbm>>
      tpu.enqueue_indirect_dma source(%dma_start3A_30 : memref<1000000x64xf32, #tpu.memory_space<hbm>>) target(%dma_start3A_26 : memref<128x64xf32, #tpu.memory_space<vmem>>) offsets(%dma_start3A_27 : memref<128xi32, #tpu.memory_space<vmem>>) semaphore(%arg7 : memref<!tpu.dma_semaphore, #tpu.memory_space<semaphore_mem>>)
      %add3A_31 = arith.constant 256 : i32
      %add3A_32 = arith.addi %multiple_of3A, %add3A_31 : i32
      %dma_start3A_33 = arith.constant 256 : i32
      %dma_start3A_34 = arith.constant 0 : i32
      %dma_start3A_35 = tpu.memref_slice %arg6[%dma_start3A_33, %dma_start3A_34] : memref<512x64xf32, #tpu.memory_space<vmem>> -> memref<128x64xf32, #tpu.memory_space<vmem>>
      %dma_start3A_36 = tpu.memref_slice %arg5[%add3A_32] : memref<12800xi32, #tpu.memory_space<vmem>> -> memref<128xi32, #tpu.memory_space<vmem>>
      %dma_start3A_37 = arith.constant 0 : i32
      %dma_start3A_38 = arith.constant 0 : i32
      %dma_start3A_39 = tpu.memref_slice %arg3[%dma_start3A_37, %dma_start3A_38] : memref<1000000x64xf32, #tpu.memory_space<hbm>> -> memref<1000000x64xf32, #tpu.memory_space<hbm>>
      tpu.enqueue_indirect_dma source(%dma_start3A_39 : memref<1000000x64xf32, #tpu.memory_space<hbm>>) target(%dma_start3A_35 : memref<128x64xf32, #tpu.memory_space<vmem>>) offsets(%dma_start3A_36 : memref<128xi32, #tpu.memory_space<vmem>>) semaphore(%arg7 : memref<!tpu.dma_semaphore, #tpu.memory_space<semaphore_mem>>)
      %add3A_40 = arith.constant 384 : i32
      %add3A_41 = arith.addi %multiple_of3A, %add3A_40 : i32
      %dma_start3A_42 = arith.constant 384 : i32
      %dma_start3A_43 = arith.constant 0 : i32
      %dma_start3A_44 = tpu.memref_slice %arg6[%dma_start3A_42, %dma_start3A_43] : memref<512x64xf32, #tpu.memory_space<vmem>> -> memref<128x64xf32, #tpu.memory_space<vmem>>
      %dma_start3A_45 = tpu.memref_slice %arg5[%add3A_41] : memref<12800xi32, #tpu.memory_space<vmem>> -> memref<128xi32, #tpu.memory_space<vmem>>
      %dma_start3A_46 = arith.constant 0 : i32
      %dma_start3A_47 = arith.constant 0 : i32
      %dma_start3A_48 = tpu.memref_slice %arg3[%dma_start3A_46, %dma_start3A_47] : memref<1000000x64xf32, #tpu.memory_space<hbm>> -> memref<1000000x64xf32, #tpu.memory_space<hbm>>
      tpu.enqueue_indirect_dma source(%dma_start3A_48 : memref<1000000x64xf32, #tpu.memory_space<hbm>>) target(%dma_start3A_44 : memref<128x64xf32, #tpu.memory_space<vmem>>) offsets(%dma_start3A_45 : memref<128xi32, #tpu.memory_space<vmem>>) semaphore(%arg7 : memref<!tpu.dma_semaphore, #tpu.memory_space<semaphore_mem>>)
      %dma_wait3A = arith.constant 0 : i32
      %dma_wait3A_49 = arith.constant 0 : i32
      %dma_wait3A_50 = tpu.memref_slice %arg6[%dma_wait3A, %dma_wait3A_49] : memref<512x64xf32, #tpu.memory_space<vmem>> -> memref<128x64xf32, #tpu.memory_space<vmem>>
      %dma_wait3A_51 = tpu.memref_slice %arg5[%add3A_15] : memref<12800xi32, #tpu.memory_space<vmem>> -> memref<128xi32, #tpu.memory_space<vmem>>
      %dma_wait3A_52 = arith.constant 0 : i32
      %dma_wait3A_53 = arith.constant 0 : i32
      %dma_wait3A_54 = tpu.memref_slice %arg3[%dma_wait3A_52, %dma_wait3A_53] : memref<1000000x64xf32, #tpu.memory_space<hbm>> -> memref<1000000x64xf32, #tpu.memory_space<hbm>>
      tpu.wait_indirect_dma semaphore(%arg7 : memref<!tpu.dma_semaphore, #tpu.memory_space<semaphore_mem>>) src(%dma_wait3A_54 : memref<1000000x64xf32, #tpu.memory_space<hbm>>) dst(%dma_wait3A_50 : memref<128x64xf32, #tpu.memory_space<vmem>>)
      %dma_wait3A_55 = arith.constant 128 : i32
      %dma_wait3A_56 = arith.constant 0 : i32
      %dma_wait3A_57 = tpu.memref_slice %arg6[%dma_wait3A_55, %dma_wait3A_56] : memref<512x64xf32, #tpu.memory_space<vmem>> -> memref<128x64xf32, #tpu.memory_space<vmem>>
      %dma_wait3A_58 = tpu.memref_slice %arg5[%add3A_23] : memref<12800xi32, #tpu.memory_space<vmem>> -> memref<128xi32, #tpu.memory_space<vmem>>
      %dma_wait3A_59 = arith.constant 0 : i32
      %dma_wait3A_60 = arith.constant 0 : i32
      %dma_wait3A_61 = tpu.memref_slice %arg3[%dma_wait3A_59, %dma_wait3A_60] : memref<1000000x64xf32, #tpu.memory_space<hbm>> -> memref<1000000x64xf32, #tpu.memory_space<hbm>>
      tpu.wait_indirect_dma semaphore(%arg7 : memref<!tpu.dma_semaphore, #tpu.memory_space<semaphore_mem>>) src(%dma_wait3A_61 : memref<1000000x64xf32, #tpu.memory_space<hbm>>) dst(%dma_wait3A_57 : memref<128x64xf32, #tpu.memory_space<vmem>>)
      %dma_wait3A_62 = arith.constant 256 : i32
      %dma_wait3A_63 = arith.constant 0 : i32
      %dma_wait3A_64 = tpu.memref_slice %arg6[%dma_wait3A_62, %dma_wait3A_63] : memref<512x64xf32, #tpu.memory_space<vmem>> -> memref<128x64xf32, #tpu.memory_space<vmem>>
      %dma_wait3A_65 = tpu.memref_slice %arg5[%add3A_32] : memref<12800xi32, #tpu.memory_space<vmem>> -> memref<128xi32, #tpu.memory_space<vmem>>
      %dma_wait3A_66 = arith.constant 0 : i32
      %dma_wait3A_67 = arith.constant 0 : i32
      %dma_wait3A_68 = tpu.memref_slice %arg3[%dma_wait3A_66, %dma_wait3A_67] : memref<1000000x64xf32, #tpu.memory_space<hbm>> -> memref<1000000x64xf32, #tpu.memory_space<hbm>>
      tpu.wait_indirect_dma semaphore(%arg7 : memref<!tpu.dma_semaphore, #tpu.memory_space<semaphore_mem>>) src(%dma_wait3A_68 : memref<1000000x64xf32, #tpu.memory_space<hbm>>) dst(%dma_wait3A_64 : memref<128x64xf32, #tpu.memory_space<vmem>>)
      %dma_wait3A_69 = arith.constant 384 : i32
      %dma_wait3A_70 = arith.constant 0 : i32
      %dma_wait3A_71 = tpu.memref_slice %arg6[%dma_wait3A_69, %dma_wait3A_70] : memref<512x64xf32, #tpu.memory_space<vmem>> -> memref<128x64xf32, #tpu.memory_space<vmem>>
      %dma_wait3A_72 = tpu.memref_slice %arg5[%add3A_41] : memref<12800xi32, #tpu.memory_space<vmem>> -> memref<128xi32, #tpu.memory_space<vmem>>
      %dma_wait3A_73 = arith.constant 0 : i32
      %dma_wait3A_74 = arith.constant 0 : i32
      %dma_wait3A_75 = tpu.memref_slice %arg3[%dma_wait3A_73, %dma_wait3A_74] : memref<1000000x64xf32, #tpu.memory_space<hbm>> -> memref<1000000x64xf32, #tpu.memory_space<hbm>>
      tpu.wait_indirect_dma semaphore(%arg7 : memref<!tpu.dma_semaphore, #tpu.memory_space<semaphore_mem>>) src(%dma_wait3A_75 : memref<1000000x64xf32, #tpu.memory_space<hbm>>) dst(%dma_wait3A_71 : memref<128x64xf32, #tpu.memory_space<vmem>>)
      %add3A_76 = arith.addi %mul3A_2, %multiple_of3A : i32
      "tpu.region"() ({
        %run_scoped3A = tpu.sem_alloc : memref<!tpu.dma_semaphore, #tpu.memory_space<semaphore_mem>>
        %dma_start3A_77 = arith.constant 0 : i32
        %dma_start3A_78 = tpu.memref_slice %arg4[%add3A_76, %dma_start3A_77] : memref<409600x64xf32, #tpu.memory_space<hbm>> -> memref<512x64xf32, #tpu.memory_space<hbm>>
        %dma_start3A_79 = arith.constant 0 : i32
        %dma_start3A_80 = tpu.memref_slice %arg4[%add3A_76, %dma_start3A_79] : memref<409600x64xf32, #tpu.memory_space<hbm>> -> memref<512x64xf32, #tpu.memory_space<hbm>>
        tpu.enqueue_dma source(%arg6 : memref<512x64xf32, #tpu.memory_space<vmem>>) target(%dma_start3A_80 : memref<512x64xf32, #tpu.memory_space<hbm>>) target_semaphore(%run_scoped3A : memref<!tpu.dma_semaphore, #tpu.memory_space<semaphore_mem>>)
        %dma_wait3A_81 = arith.constant 0 : i32
        %dma_wait3A_82 = tpu.memref_slice %arg4[%add3A_76, %dma_wait3A_81] : memref<409600x64xf32, #tpu.memory_space<hbm>> -> memref<512x64xf32, #tpu.memory_space<hbm>>
        %dma_wait3A_83 = arith.constant 0 : i32
        %dma_wait3A_84 = tpu.memref_slice %arg4[%add3A_76, %dma_wait3A_83] : memref<409600x64xf32, #tpu.memory_space<hbm>> -> memref<512x64xf32, #tpu.memory_space<hbm>>
        tpu.wait_dma2 semaphore(%run_scoped3A : memref<!tpu.dma_semaphore, #tpu.memory_space<semaphore_mem>>) src(%arg6 : memref<512x64xf32, #tpu.memory_space<vmem>>) dst(%dma_wait3A_84 : memref<512x64xf32, #tpu.memory_space<hbm>>)
        tpu.yield
      }) : () -> ()
    }
    %scan3A_6 = arith.constant 25 : i32
    return
  }
}

#map = affine_map<(d0, d1) -> (0)>
#map1 = affine_map<(d0, d1) -> (0, 0)>
module attributes {stable_mosaic.version = 14 : i64} {
  func.func @gather(%arg0: i32, %arg1: i32, %arg2: memref<409600xi32, #tpu.memory_space<hbm>>, %arg3: memref<1000000x64xf32, #tpu.memory_space<hbm>>, %arg4: memref<409600x64xf32, #tpu.memory_space<hbm>>, %arg5: memref<12800xi32, #tpu.memory_space<vmem>>, %arg6: memref<512x64xf32, #tpu.memory_space<vmem>>, %arg7: memref<!tpu.dma_semaphore, #tpu.memory_space<semaphore_mem>>) attributes {dimension_semantics = [#tpu.dimension_semantics<core_parallel>, #tpu.dimension_semantics<subcore_parallel>], iteration_bounds = array<i64: 2, 16>, scalar_prefetch = 0 : i64, scratch_operands = 3 : i64, tpu.core_type = #tpu.core_type<sc_vector_subcore>, window_params = [{transform_indices = #map}, {transform_indices = #map1}, {transform_indices = #map1}]} {
    %mul3A = arith.constant 2 : i32
    %mul3A_0 = arith.muli %arg1, %mul3A : i32
    %add3A = arith.addi %mul3A_0, %arg0 : i32
    %mul3A_1 = arith.constant 12800 : i32
    %mul3A_2 = arith.muli %add3A, %mul3A_1 : i32
    "tpu.region"() ({
      %run_scoped3A = tpu.sem_alloc : memref<!tpu.dma_semaphore, #tpu.memory_space<semaphore_mem>>
      %dma_start3A = tpu.memref_slice %arg2[%mul3A_2] : memref<409600xi32, #tpu.memory_space<hbm>> -> memref<12800xi32, #tpu.memory_space<hbm>>
      %dma_start3A_7 = tpu.memref_slice %arg2[%mul3A_2] : memref<409600xi32, #tpu.memory_space<hbm>> -> memref<12800xi32, #tpu.memory_space<hbm>>
      tpu.enqueue_dma source(%dma_start3A_7 : memref<12800xi32, #tpu.memory_space<hbm>>) target(%arg5 : memref<12800xi32, #tpu.memory_space<vmem>>) target_semaphore(%run_scoped3A : memref<!tpu.dma_semaphore, #tpu.memory_space<semaphore_mem>>)
      %dma_wait3A = tpu.memref_slice %arg2[%mul3A_2] : memref<409600xi32, #tpu.memory_space<hbm>> -> memref<12800xi32, #tpu.memory_space<hbm>>
      %dma_wait3A_8 = tpu.memref_slice %arg2[%mul3A_2] : memref<409600xi32, #tpu.memory_space<hbm>> -> memref<12800xi32, #tpu.memory_space<hbm>>
      tpu.wait_dma2 semaphore(%run_scoped3A : memref<!tpu.dma_semaphore, #tpu.memory_space<semaphore_mem>>) src(%dma_wait3A_8 : memref<12800xi32, #tpu.memory_space<hbm>>) dst(%arg5 : memref<12800xi32, #tpu.memory_space<vmem>>)
      tpu.yield
    }) : () -> ()
    %scan3A = arith.constant 0 : i32
    %scan3A_3 = arith.constant 25 : i32
    %scan3A_4 = arith.addi %scan3A, %scan3A_3 : i32
    %scan3A_5 = arith.constant 1 : i32
    scf.for %scan3A_7 = %scan3A to %scan3A_4 step %scan3A_5  : i32 {
      %mul3A_8 = arith.constant 1 : i32
      %mul3A_9 = arith.muli %scan3A_7, %mul3A_8 : i32
      %add3A_10 = arith.constant 0 : i32
      %add3A_11 = arith.addi %add3A_10, %mul3A_9 : i32
      %mul3A_12 = arith.constant 512 : i32
      %mul3A_13 = arith.muli %add3A_11, %mul3A_12 : i32
      %multiple_of3A = tpu.assume_multiple %mul3A_13, 512 : i32
      %add3A_14 = arith.constant 0 : i32
      %add3A_15 = arith.addi %multiple_of3A, %add3A_14 : i32
      %dma_start3A = arith.constant 0 : i32
      %dma_start3A_16 = arith.constant 0 : i32
      %dma_start3A_17 = tpu.memref_slice %arg6[%dma_start3A, %dma_start3A_16] : memref<512x64xf32, #tpu.memory_space<vmem>> -> memref<128x64xf32, #tpu.memory_space<vmem>>
      %dma_start3A_18 = tpu.memref_slice %arg5[%add3A_15] : memref<12800xi32, #tpu.memory_space<vmem>> -> memref<128xi32, #tpu.memory_space<vmem>>
      %dma_start3A_19 = arith.constant 0 : i32
      %dma_start3A_20 = arith.constant 0 : i32
      %dma_start3A_21 = tpu.memref_slice %arg3[%dma_start3A_19, %dma_start3A_20] : memref<1000000x64xf32, #tpu.memory_space<hbm>> -> memref<1000000x64xf32, #tpu.memory_space<hbm>>
      tpu.enqueue_indirect_dma source(%dma_start3A_21 : memref<1000000x64xf32, #tpu.memory_space<hbm>>) target(%dma_start3A_17 : memref<128x64xf32, #tpu.memory_space<vmem>>) offsets(%dma_start3A_18 : memref<128xi32, #tpu.memory_space<vmem>>) semaphore(%arg7 : memref<!tpu.dma_semaphore, #tpu.memory_space<semaphore_mem>>)
      %add3A_22 = arith.constant 128 : i32
      %add3A_23 = arith.addi %multiple_of3A, %add3A_22 : i32
      %dma_start3A_24 = arith.constant 128 : i32
      %dma_start3A_25 = arith.constant 0 : i32
      %dma_start3A_26 = tpu.memref_slice %arg6[%dma_start3A_24, %dma_start3A_25] : memref<512x64xf32, #tpu.memory_space<vmem>> -> memref<128x64xf32, #tpu.memory_space<vmem>>
      %dma_start3A_27 = tpu.memref_slice %arg5[%add3A_23] : memref<12800xi32, #tpu.memory_space<vmem>> -> memref<128xi32, #tpu.memory_space<vmem>>
      %dma_start3A_28 = arith.constant 0 : i32
      %dma_start3A_29 = arith.constant 0 : i32
      %dma_start3A_30 = tpu.memref_slice %arg3[%dma_start3A_28, %dma_start3A_29] : memref<1000000x64xf32, #tpu.memory_space<hbm>> -> memref<1000000x64xf32, #tpu.memory_space<hbm>>
      tpu.enqueue_indirect_dma source(%dma_start3A_30 : memref<1000000x64xf32, #tpu.memory_space<hbm>>) target(%dma_start3A_26 : memref<128x64xf32, #tpu.memory_space<vmem>>) offsets(%dma_start3A_27 : memref<128xi32, #tpu.memory_space<vmem>>) semaphore(%arg7 : memref<!tpu.dma_semaphore, #tpu.memory_space<semaphore_mem>>)
      %add3A_31 = arith.constant 256 : i32
      %add3A_32 = arith.addi %multiple_of3A, %add3A_31 : i32
      %dma_start3A_33 = arith.constant 256 : i32
      %dma_start3A_34 = arith.constant 0 : i32
      %dma_start3A_35 = tpu.memref_slice %arg6[%dma_start3A_33, %dma_start3A_34] : memref<512x64xf32, #tpu.memory_space<vmem>> -> memref<128x64xf32, #tpu.memory_space<vmem>>
      %dma_start3A_36 = tpu.memref_slice %arg5[%add3A_32] : memref<12800xi32, #tpu.memory_space<vmem>> -> memref<128xi32, #tpu.memory_space<vmem>>
      %dma_start3A_37 = arith.constant 0 : i32
      %dma_start3A_38 = arith.constant 0 : i32
      %dma_start3A_39 = tpu.memref_slice %arg3[%dma_start3A_37, %dma_start3A_38] : memref<1000000x64xf32, #tpu.memory_space<hbm>> -> memref<1000000x64xf32, #tpu.memory_space<hbm>>
      tpu.enqueue_indirect_dma source(%dma_start3A_39 : memref<1000000x64xf32, #tpu.memory_space<hbm>>) target(%dma_start3A_35 : memref<128x64xf32, #tpu.memory_space<vmem>>) offsets(%dma_start3A_36 : memref<128xi32, #tpu.memory_space<vmem>>) semaphore(%arg7 : memref<!tpu.dma_semaphore, #tpu.memory_space<semaphore_mem>>)
      %add3A_40 = arith.constant 384 : i32
      %add3A_41 = arith.addi %multiple_of3A, %add3A_40 : i32
      %dma_start3A_42 = arith.constant 384 : i32
      %dma_start3A_43 = arith.constant 0 : i32
      %dma_start3A_44 = tpu.memref_slice %arg6[%dma_start3A_42, %dma_start3A_43] : memref<512x64xf32, #tpu.memory_space<vmem>> -> memref<128x64xf32, #tpu.memory_space<vmem>>
      %dma_start3A_45 = tpu.memref_slice %arg5[%add3A_41] : memref<12800xi32, #tpu.memory_space<vmem>> -> memref<128xi32, #tpu.memory_space<vmem>>
      %dma_start3A_46 = arith.constant 0 : i32
      %dma_start3A_47 = arith.constant 0 : i32
      %dma_start3A_48 = tpu.memref_slice %arg3[%dma_start3A_46, %dma_start3A_47] : memref<1000000x64xf32, #tpu.memory_space<hbm>> -> memref<1000000x64xf32, #tpu.memory_space<hbm>>
      tpu.enqueue_indirect_dma source(%dma_start3A_48 : memref<1000000x64xf32, #tpu.memory_space<hbm>>) target(%dma_start3A_44 : memref<128x64xf32, #tpu.memory_space<vmem>>) offsets(%dma_start3A_45 : memref<128xi32, #tpu.memory_space<vmem>>) semaphore(%arg7 : memref<!tpu.dma_semaphore, #tpu.memory_space<semaphore_mem>>)
      %dma_wait3A = arith.constant 0 : i32
      %dma_wait3A_49 = arith.constant 0 : i32
      %dma_wait3A_50 = tpu.memref_slice %arg6[%dma_wait3A, %dma_wait3A_49] : memref<512x64xf32, #tpu.memory_space<vmem>> -> memref<128x64xf32, #tpu.memory_space<vmem>>
      %dma_wait3A_51 = tpu.memref_slice %arg5[%add3A_15] : memref<12800xi32, #tpu.memory_space<vmem>> -> memref<128xi32, #tpu.memory_space<vmem>>
      %dma_wait3A_52 = arith.constant 0 : i32
      %dma_wait3A_53 = arith.constant 0 : i32
      %dma_wait3A_54 = tpu.memref_slice %arg3[%dma_wait3A_52, %dma_wait3A_53] : memref<1000000x64xf32, #tpu.memory_space<hbm>> -> memref<1000000x64xf32, #tpu.memory_space<hbm>>
      tpu.wait_indirect_dma semaphore(%arg7 : memref<!tpu.dma_semaphore, #tpu.memory_space<semaphore_mem>>) src(%dma_wait3A_54 : memref<1000000x64xf32, #tpu.memory_space<hbm>>) dst(%dma_wait3A_50 : memref<128x64xf32, #tpu.memory_space<vmem>>)
      %dma_wait3A_55 = arith.constant 128 : i32
      %dma_wait3A_56 = arith.constant 0 : i32
      %dma_wait3A_57 = tpu.memref_slice %arg6[%dma_wait3A_55, %dma_wait3A_56] : memref<512x64xf32, #tpu.memory_space<vmem>> -> memref<128x64xf32, #tpu.memory_space<vmem>>
      %dma_wait3A_58 = tpu.memref_slice %arg5[%add3A_23] : memref<12800xi32, #tpu.memory_space<vmem>> -> memref<128xi32, #tpu.memory_space<vmem>>
      %dma_wait3A_59 = arith.constant 0 : i32
      %dma_wait3A_60 = arith.constant 0 : i32
      %dma_wait3A_61 = tpu.memref_slice %arg3[%dma_wait3A_59, %dma_wait3A_60] : memref<1000000x64xf32, #tpu.memory_space<hbm>> -> memref<1000000x64xf32, #tpu.memory_space<hbm>>
      tpu.wait_indirect_dma semaphore(%arg7 : memref<!tpu.dma_semaphore, #tpu.memory_space<semaphore_mem>>) src(%dma_wait3A_61 : memref<1000000x64xf32, #tpu.memory_space<hbm>>) dst(%dma_wait3A_57 : memref<128x64xf32, #tpu.memory_space<vmem>>)
      %dma_wait3A_62 = arith.constant 256 : i32
      %dma_wait3A_63 = arith.constant 0 : i32
      %dma_wait3A_64 = tpu.memref_slice %arg6[%dma_wait3A_62, %dma_wait3A_63] : memref<512x64xf32, #tpu.memory_space<vmem>> -> memref<128x64xf32, #tpu.memory_space<vmem>>
      %dma_wait3A_65 = tpu.memref_slice %arg5[%add3A_32] : memref<12800xi32, #tpu.memory_space<vmem>> -> memref<128xi32, #tpu.memory_space<vmem>>
      %dma_wait3A_66 = arith.constant 0 : i32
      %dma_wait3A_67 = arith.constant 0 : i32
      %dma_wait3A_68 = tpu.memref_slice %arg3[%dma_wait3A_66, %dma_wait3A_67] : memref<1000000x64xf32, #tpu.memory_space<hbm>> -> memref<1000000x64xf32, #tpu.memory_space<hbm>>
      tpu.wait_indirect_dma semaphore(%arg7 : memref<!tpu.dma_semaphore, #tpu.memory_space<semaphore_mem>>) src(%dma_wait3A_68 : memref<1000000x64xf32, #tpu.memory_space<hbm>>) dst(%dma_wait3A_64 : memref<128x64xf32, #tpu.memory_space<vmem>>)
      %dma_wait3A_69 = arith.constant 384 : i32
      %dma_wait3A_70 = arith.constant 0 : i32
      %dma_wait3A_71 = tpu.memref_slice %arg6[%dma_wait3A_69, %dma_wait3A_70] : memref<512x64xf32, #tpu.memory_space<vmem>> -> memref<128x64xf32, #tpu.memory_space<vmem>>
      %dma_wait3A_72 = tpu.memref_slice %arg5[%add3A_41] : memref<12800xi32, #tpu.memory_space<vmem>> -> memref<128xi32, #tpu.memory_space<vmem>>
      %dma_wait3A_73 = arith.constant 0 : i32
      %dma_wait3A_74 = arith.constant 0 : i32
      %dma_wait3A_75 = tpu.memref_slice %arg3[%dma_wait3A_73, %dma_wait3A_74] : memref<1000000x64xf32, #tpu.memory_space<hbm>> -> memref<1000000x64xf32, #tpu.memory_space<hbm>>
      tpu.wait_indirect_dma semaphore(%arg7 : memref<!tpu.dma_semaphore, #tpu.memory_space<semaphore_mem>>) src(%dma_wait3A_75 : memref<1000000x64xf32, #tpu.memory_space<hbm>>) dst(%dma_wait3A_71 : memref<128x64xf32, #tpu.memory_space<vmem>>)
      %add3A_76 = arith.addi %mul3A_2, %multiple_of3A : i32
      "tpu.region"() ({
        %run_scoped3A = tpu.sem_alloc : memref<!tpu.dma_semaphore, #tpu.memory_space<semaphore_mem>>
        %dma_start3A_77 = arith.constant 0 : i32
        %dma_start3A_78 = tpu.memref_slice %arg4[%add3A_76, %dma_start3A_77] : memref<409600x64xf32, #tpu.memory_space<hbm>> -> memref<512x64xf32, #tpu.memory_space<hbm>>
        %dma_start3A_79 = arith.constant 0 : i32
        %dma_start3A_80 = tpu.memref_slice %arg4[%add3A_76, %dma_start3A_79] : memref<409600x64xf32, #tpu.memory_space<hbm>> -> memref<512x64xf32, #tpu.memory_space<hbm>>
        tpu.enqueue_dma source(%arg6 : memref<512x64xf32, #tpu.memory_space<vmem>>) target(%dma_start3A_80 : memref<512x64xf32, #tpu.memory_space<hbm>>) target_semaphore(%run_scoped3A : memref<!tpu.dma_semaphore, #tpu.memory_space<semaphore_mem>>)
        %dma_wait3A_81 = arith.constant 0 : i32
        %dma_wait3A_82 = tpu.memref_slice %arg4[%add3A_76, %dma_wait3A_81] : memref<409600x64xf32, #tpu.memory_space<hbm>> -> memref<512x64xf32, #tpu.memory_space<hbm>>
        %dma_wait3A_83 = arith.constant 0 : i32
        %dma_wait3A_84 = tpu.memref_slice %arg4[%add3A_76, %dma_wait3A_83] : memref<409600x64xf32, #tpu.memory_space<hbm>> -> memref<512x64xf32, #tpu.memory_space<hbm>>
        tpu.wait_dma2 semaphore(%run_scoped3A : memref<!tpu.dma_semaphore, #tpu.memory_space<semaphore_mem>>) src(%arg6 : memref<512x64xf32, #tpu.memory_space<vmem>>) dst(%dma_wait3A_84 : memref<512x64xf32, #tpu.memory_space<hbm>>)
        tpu.yield
      }) : () -> ()
    }
    %scan3A_6 = arith.constant 25 : i32
    return
  }
}

module attributes {stable_mosaic.version = 14 : i64} {
  func.func @_pack_table_kernel(%arg0: i32, %arg1: memref<64x1000000xf32, #tpu.memory_space<hbm>>, %arg2: memref<64x64xf32, #tpu.memory_space<vmem>>, %arg3: memref<500000x128xf32, #tpu.memory_space<hbm>>, %arg4: memref<2x64x7936xf32, #tpu.memory_space<vmem>>, %arg5: memref<2x3968x128xf32, #tpu.memory_space<vmem>>, %arg6: memref<2x!tpu.dma_semaphore, #tpu.memory_space<semaphore_mem>>, %arg7: memref<2x!tpu.dma_semaphore, #tpu.memory_space<semaphore_mem>>) attributes {dimension_semantics = [#tpu.dimension_semantics<arbitrary>], iteration_bounds = array<i64: 126>, scalar_prefetch = 0 : i64, scratch_operands = 4 : i64, tpu.core_type = #tpu.core_type<tc>, window_params = [{}, {pipeline_mode = #tpu.pipeline_mode<synchronous>, transform_indices = @transform_1, window_bounds = array<i64: 64, 64>}, {}]} {
    %jit3A = arith.constant 2 : i32
    %eq3A = arith.constant 0 : i32
    %eq3A_0 = arith.cmpi eq, %jit3A, %eq3A : i32
    %jit3A_1 = arith.constant 1 : i32
    %select_n3A = arith.select %eq3A_0, %jit3A_1, %jit3A : i32
    %rem3A = arith.remsi %arg0, %select_n3A : i32
    %ne3A = arith.constant 0 : i32
    %ne3A_2 = arith.cmpi ne, %rem3A, %ne3A : i32
    %lt3A = arith.constant 0 : i32
    %lt3A_3 = arith.cmpi slt, %rem3A, %lt3A : i32
    %lt3A_4 = arith.constant 0 : i32
    %lt3A_5 = arith.cmpi slt, %select_n3A, %lt3A_4 : i32
    %ne3A_6 = arith.xori %lt3A_3, %lt3A_5 : i1
    %and3A = arith.andi %ne3A_6, %ne3A_2 : i1
    %add3A = arith.addi %rem3A, %select_n3A : i32
    %select_n3A_7 = arith.select %and3A, %add3A, %rem3A : i32
    %eq3A_8 = arith.constant 0 : i32
    %eq3A_9 = arith.cmpi eq, %arg0, %eq3A_8 : i32
    %convert_element_type3A = arith.extui %eq3A_9 : i1 to i32
    %cond3A = arith.constant 0 : i32
    %cond3A_10 = arith.cmpi ne, %convert_element_type3A, %cond3A : i32
    scf.if %cond3A_10 {
      %dma_start3A_60 = arith.constant 0 : i32
      %dma_start3A_61 = arith.constant 0 : i32
      %dma_start3A_62 = tpu.memref_slice %arg6[%dma_start3A_61] : memref<2x!tpu.dma_semaphore, #tpu.memory_space<semaphore_mem>> -> memref<1x!tpu.dma_semaphore, #tpu.memory_space<semaphore_mem>>
      %dma_start3A_63 = tpu.memref_squeeze %dma_start3A_62 : memref<1x!tpu.dma_semaphore, #tpu.memory_space<semaphore_mem>> -> memref<!tpu.dma_semaphore, #tpu.memory_space<semaphore_mem>>
      %dma_start3A_64 = arith.constant 0 : i32
      %dma_start3A_65 = arith.constant 0 : i32
      %dma_start3A_66 = tpu.memref_slice %arg4[%dma_start3A_60, %dma_start3A_64, %dma_start3A_65] : memref<2x64x7936xf32, #tpu.memory_space<vmem>> -> memref<1x64x7936xf32, #tpu.memory_space<vmem>>
      %dma_start3A_67 = tpu.memref_squeeze %dma_start3A_66 : memref<1x64x7936xf32, #tpu.memory_space<vmem>> -> memref<64x7936xf32, #tpu.memory_space<vmem>>
      %dma_start3A_68 = arith.constant 0 : i32
      %dma_start3A_69 = arith.constant 0 : i32
      %dma_start3A_70 = tpu.memref_slice %arg1[%dma_start3A_68, %dma_start3A_69] : memref<64x1000000xf32, #tpu.memory_space<hbm>> -> memref<64x7936xf32, #tpu.memory_space<hbm>>
      tpu.enqueue_dma source(%dma_start3A_70 : memref<64x7936xf32, #tpu.memory_space<hbm>>) target(%dma_start3A_67 : memref<64x7936xf32, #tpu.memory_space<vmem>>) target_semaphore(%dma_start3A_63 : memref<!tpu.dma_semaphore, #tpu.memory_space<semaphore_mem>>)
    } else {
    }
    %lt3A_11 = arith.constant 125 : i32
    %lt3A_12 = arith.cmpi slt, %arg0, %lt3A_11 : i32
    %convert_element_type3A_13 = arith.extui %lt3A_12 : i1 to i32
    %cond3A_14 = arith.constant 0 : i32
    %cond3A_15 = arith.cmpi ne, %convert_element_type3A_13, %cond3A_14 : i32
    scf.if %cond3A_15 {
      %add3A_60 = arith.constant 1 : i32
      %add3A_61 = arith.addi %arg0, %add3A_60 : i32
      %add3A_62 = arith.constant 1 : i32
      %add3A_63 = arith.addi %arg0, %add3A_62 : i32
      %jit3A_64 = arith.constant 2 : i32
      %eq3A_65 = arith.constant 0 : i32
      %eq3A_66 = arith.cmpi eq, %jit3A_64, %eq3A_65 : i32
      %jit3A_67 = arith.constant 1 : i32
      %select_n3A_68 = arith.select %eq3A_66, %jit3A_67, %jit3A_64 : i32
      %rem3A_69 = arith.remsi %add3A_63, %select_n3A_68 : i32
      %ne3A_70 = arith.constant 0 : i32
      %ne3A_71 = arith.cmpi ne, %rem3A_69, %ne3A_70 : i32
      %lt3A_72 = arith.constant 0 : i32
      %lt3A_73 = arith.cmpi slt, %rem3A_69, %lt3A_72 : i32
      %lt3A_74 = arith.constant 0 : i32
      %lt3A_75 = arith.cmpi slt, %select_n3A_68, %lt3A_74 : i32
      %ne3A_76 = arith.xori %lt3A_73, %lt3A_75 : i1
      %and3A_77 = arith.andi %ne3A_76, %ne3A_71 : i1
      %add3A_78 = arith.addi %rem3A_69, %select_n3A_68 : i32
      %select_n3A_79 = arith.select %and3A_77, %add3A_78, %rem3A_69 : i32
      %mul3A_80 = arith.constant 7936 : i32
      %mul3A_81 = arith.muli %add3A_61, %mul3A_80 : i32
      %dma_start3A_82 = tpu.memref_slice %arg6[%select_n3A_79] : memref<2x!tpu.dma_semaphore, #tpu.memory_space<semaphore_mem>> -> memref<1x!tpu.dma_semaphore, #tpu.memory_space<semaphore_mem>>
      %dma_start3A_83 = tpu.memref_squeeze %dma_start3A_82 : memref<1x!tpu.dma_semaphore, #tpu.memory_space<semaphore_mem>> -> memref<!tpu.dma_semaphore, #tpu.memory_space<semaphore_mem>>
      %dma_start3A_84 = arith.constant 0 : i32
      %dma_start3A_85 = arith.constant 0 : i32
      %dma_start3A_86 = tpu.memref_slice %arg4[%select_n3A_79, %dma_start3A_84, %dma_start3A_85] : memref<2x64x7936xf32, #tpu.memory_space<vmem>> -> memref<1x64x7936xf32, #tpu.memory_space<vmem>>
      %dma_start3A_87 = tpu.memref_squeeze %dma_start3A_86 : memref<1x64x7936xf32, #tpu.memory_space<vmem>> -> memref<64x7936xf32, #tpu.memory_space<vmem>>
      %dma_start3A_88 = arith.constant 0 : i32
      %dma_start3A_89 = tpu.memref_slice %arg1[%dma_start3A_88, %mul3A_81] : memref<64x1000000xf32, #tpu.memory_space<hbm>> -> memref<64x7936xf32, #tpu.memory_space<hbm>>
      tpu.enqueue_dma source(%dma_start3A_89 : memref<64x7936xf32, #tpu.memory_space<hbm>>) target(%dma_start3A_87 : memref<64x7936xf32, #tpu.memory_space<vmem>>) target_semaphore(%dma_start3A_83 : memref<!tpu.dma_semaphore, #tpu.memory_space<semaphore_mem>>)
    } else {
    }
    %mul3A = arith.constant 7936 : i32
    %mul3A_16 = arith.muli %arg0, %mul3A : i32
    %dma_wait3A = tpu.memref_slice %arg6[%select_n3A_7] : memref<2x!tpu.dma_semaphore, #tpu.memory_space<semaphore_mem>> -> memref<1x!tpu.dma_semaphore, #tpu.memory_space<semaphore_mem>>
    %dma_wait3A_17 = tpu.memref_squeeze %dma_wait3A : memref<1x!tpu.dma_semaphore, #tpu.memory_space<semaphore_mem>> -> memref<!tpu.dma_semaphore, #tpu.memory_space<semaphore_mem>>
    %dma_wait3A_18 = arith.constant 0 : i32
    %dma_wait3A_19 = arith.constant 0 : i32
    %dma_wait3A_20 = tpu.memref_slice %arg4[%select_n3A_7, %dma_wait3A_18, %dma_wait3A_19] : memref<2x64x7936xf32, #tpu.memory_space<vmem>> -> memref<1x64x7936xf32, #tpu.memory_space<vmem>>
    %dma_wait3A_21 = tpu.memref_squeeze %dma_wait3A_20 : memref<1x64x7936xf32, #tpu.memory_space<vmem>> -> memref<64x7936xf32, #tpu.memory_space<vmem>>
    %dma_wait3A_22 = arith.constant 0 : i32
    %dma_wait3A_23 = tpu.memref_slice %arg1[%dma_wait3A_22, %mul3A_16] : memref<64x1000000xf32, #tpu.memory_space<hbm>> -> memref<64x7936xf32, #tpu.memory_space<hbm>>
    tpu.wait_dma2 semaphore(%dma_wait3A_17 : memref<!tpu.dma_semaphore, #tpu.memory_space<semaphore_mem>>) src(%dma_wait3A_23 : memref<64x7936xf32, #tpu.memory_space<hbm>>) dst(%dma_wait3A_21 : memref<64x7936xf32, #tpu.memory_space<vmem>>)
    %ge3A = arith.constant 2 : i32
    %ge3A_24 = arith.cmpi sge, %arg0, %ge3A : i32
    %convert_element_type3A_25 = arith.extui %ge3A_24 : i1 to i32
    %cond3A_26 = arith.constant 0 : i32
    %cond3A_27 = arith.cmpi ne, %convert_element_type3A_25, %cond3A_26 : i32
    scf.if %cond3A_27 {
      %sub3A = arith.constant 2 : i32
      %sub3A_60 = arith.subi %arg0, %sub3A : i32
      %mul3A_61 = arith.constant 3968 : i32
      %mul3A_62 = arith.muli %sub3A_60, %mul3A_61 : i32
      %dma_wait3A_63 = tpu.memref_slice %arg7[%select_n3A_7] : memref<2x!tpu.dma_semaphore, #tpu.memory_space<semaphore_mem>> -> memref<1x!tpu.dma_semaphore, #tpu.memory_space<semaphore_mem>>
      %dma_wait3A_64 = tpu.memref_squeeze %dma_wait3A_63 : memref<1x!tpu.dma_semaphore, #tpu.memory_space<semaphore_mem>> -> memref<!tpu.dma_semaphore, #tpu.memory_space<semaphore_mem>>
      %dma_wait3A_65 = arith.constant 0 : i32
      %dma_wait3A_66 = tpu.memref_slice %arg3[%mul3A_62, %dma_wait3A_65] : memref<500000x128xf32, #tpu.memory_space<hbm>> -> memref<3968x128xf32, #tpu.memory_space<hbm>>
      %dma_wait3A_67 = arith.constant 0 : i32
      %dma_wait3A_68 = arith.constant 0 : i32
      %dma_wait3A_69 = tpu.memref_slice %arg5[%select_n3A_7, %dma_wait3A_67, %dma_wait3A_68] : memref<2x3968x128xf32, #tpu.memory_space<vmem>> -> memref<1x3968x128xf32, #tpu.memory_space<vmem>>
      %dma_wait3A_70 = tpu.memref_squeeze %dma_wait3A_69 : memref<1x3968x128xf32, #tpu.memory_space<vmem>> -> memref<3968x128xf32, #tpu.memory_space<vmem>>
      tpu.wait_dma2 semaphore(%dma_wait3A_64 : memref<!tpu.dma_semaphore, #tpu.memory_space<semaphore_mem>>) src(%dma_wait3A_70 : memref<3968x128xf32, #tpu.memory_space<vmem>>) dst(%dma_wait3A_66 : memref<3968x128xf32, #tpu.memory_space<hbm>>)
    } else {
    }
    %iota3A = tpu.iota {dimensions = array<i32: 0>} : vector<64x64xi32>
    %iota3A_28 = tpu.iota {dimensions = array<i32: 1>} : vector<64x64xi32>
    %add3A_29 = arith.constant 0 : i32
    %add3A_30 = vector.broadcast %add3A_29 : i32 to vector<64x64xi32>
    %add3A_31 = arith.addi %iota3A, %add3A_30 : vector<64x64xi32>
    %eq3A_32 = arith.cmpi eq, %add3A_31, %iota3A_28 : vector<64x64xi32>
    %convert_element_type3A_33 = arith.extui %eq3A_32 : vector<64x64xi1> to vector<64x64xi32>
    %convert_element_type3A_34 = arith.sitofp %convert_element_type3A_33 : vector<64x64xi32> to vector<64x64xf32>
    %get3A = arith.index_cast %select_n3A_7 : i32 to index
    %get3A_35 = arith.constant 0 : index
    %get3A_36 = arith.constant 0 : index
    %get3A_37 = vector.load %arg4[%get3A, %get3A_35, %get3A_36] : memref<2x64x7936xf32, #tpu.memory_space<vmem>>, vector<1x64x7936xf32>
    %get3A_38 = vector.shape_cast %get3A_37 : vector<1x64x7936xf32> to vector<64x7936xf32>
    %dot_general3A = arith.constant dense<0.000000e+00> : vector<7936x64xf32>
    %dot_general3A_39 = tpu.matmul %get3A_38, %convert_element_type3A_34, %dot_general3A {dimension_numbers = #tpu.dot_dimension_numbers<[0], [0], [1], [1], [0, 1, 1, 1], [], []>, transpose_lhs_hint = false} : vector<64x7936xf32>, vector<64x64xf32>, vector<7936x64xf32> -> vector<7936x64xf32>
    %slice3A = vector.extract_strided_slice %dot_general3A_39 {offsets = [0, 0], sizes = [3968, 64], strides = [1, 1]} : vector<7936x64xf32> to vector<3968x64xf32>
    %slice3A_40 = vector.extract_strided_slice %dot_general3A_39 {offsets = [3968, 0], sizes = [3968, 64], strides = [1, 1]} : vector<7936x64xf32> to vector<3968x64xf32>
    %concatenate3A = tpu.concatenate %slice3A, %slice3A_40 in 1 : vector<3968x64xf32>, vector<3968x64xf32> -> vector<3968x128xf32>
    %swap3A = arith.index_cast %select_n3A_7 : i32 to index
    %swap3A_41 = arith.constant 0 : index
    %swap3A_42 = arith.constant 0 : index
    %swap3A_43 = vector.load %arg5[%swap3A, %swap3A_41, %swap3A_42] : memref<2x3968x128xf32, #tpu.memory_space<vmem>>, vector<1x3968x128xf32>
    %swap3A_44 = vector.shape_cast %swap3A_43 : vector<1x3968x128xf32> to vector<3968x128xf32>
    %swap3A_45 = vector.shape_cast %concatenate3A : vector<3968x128xf32> to vector<1x3968x128xf32>
    tpu.vector_store %arg5[%swap3A, %swap3A_41, %swap3A_42], %swap3A_45 {strides = array<i32>} : memref<2x3968x128xf32, #tpu.memory_space<vmem>>, vector<1x3968x128xf32>,
    %mul3A_46 = arith.constant 3968 : i32
    %mul3A_47 = arith.muli %arg0, %mul3A_46 : i32
    %dma_start3A = tpu.memref_slice %arg7[%select_n3A_7] : memref<2x!tpu.dma_semaphore, #tpu.memory_space<semaphore_mem>> -> memref<1x!tpu.dma_semaphore, #tpu.memory_space<semaphore_mem>>
    %dma_start3A_48 = tpu.memref_squeeze %dma_start3A : memref<1x!tpu.dma_semaphore, #tpu.memory_space<semaphore_mem>> -> memref<!tpu.dma_semaphore, #tpu.memory_space<semaphore_mem>>
    %dma_start3A_49 = arith.constant 0 : i32
    %dma_start3A_50 = tpu.memref_slice %arg3[%mul3A_47, %dma_start3A_49] : memref<500000x128xf32, #tpu.memory_space<hbm>> -> memref<3968x128xf32, #tpu.memory_space<hbm>>
    %dma_start3A_51 = arith.constant 0 : i32
    %dma_start3A_52 = arith.constant 0 : i32
    %dma_start3A_53 = tpu.memref_slice %arg5[%select_n3A_7, %dma_start3A_51, %dma_start3A_52] : memref<2x3968x128xf32, #tpu.memory_space<vmem>> -> memref<1x3968x128xf32, #tpu.memory_space<vmem>>
    %dma_start3A_54 = tpu.memref_squeeze %dma_start3A_53 : memref<1x3968x128xf32, #tpu.memory_space<vmem>> -> memref<3968x128xf32, #tpu.memory_space<vmem>>
    tpu.enqueue_dma source(%dma_start3A_54 : memref<3968x128xf32, #tpu.memory_space<vmem>>) target(%dma_start3A_50 : memref<3968x128xf32, #tpu.memory_space<hbm>>) target_semaphore(%dma_start3A_48 : memref<!tpu.dma_semaphore, #tpu.memory_space<semaphore_mem>>)
    %eq3A_55 = arith.constant 125 : i32
    %eq3A_56 = arith.cmpi eq, %arg0, %eq3A_55 : i32
    %convert_element_type3A_57 = arith.extui %eq3A_56 : i1 to i32
    %cond3A_58 = arith.constant 0 : i32
    %cond3A_59 = arith.cmpi ne, %convert_element_type3A_57, %cond3A_58 : i32
    scf.if %cond3A_59 {
      %sub3A = arith.constant 1 : i32
      %sub3A_60 = arith.subi %arg0, %sub3A : i32
      %sub3A_61 = arith.constant 1 : i32
      %sub3A_62 = arith.subi %arg0, %sub3A_61 : i32
      %jit3A_63 = arith.constant 2 : i32
      %eq3A_64 = arith.constant 0 : i32
      %eq3A_65 = arith.cmpi eq, %jit3A_63, %eq3A_64 : i32
      %jit3A_66 = arith.constant 1 : i32
      %select_n3A_67 = arith.select %eq3A_65, %jit3A_66, %jit3A_63 : i32
      %rem3A_68 = arith.remsi %sub3A_62, %select_n3A_67 : i32
      %ne3A_69 = arith.constant 0 : i32
      %ne3A_70 = arith.cmpi ne, %rem3A_68, %ne3A_69 : i32
      %lt3A_71 = arith.constant 0 : i32
      %lt3A_72 = arith.cmpi slt, %rem3A_68, %lt3A_71 : i32
      %lt3A_73 = arith.constant 0 : i32
      %lt3A_74 = arith.cmpi slt, %select_n3A_67, %lt3A_73 : i32
      %ne3A_75 = arith.xori %lt3A_72, %lt3A_74 : i1
      %and3A_76 = arith.andi %ne3A_75, %ne3A_70 : i1
      %add3A_77 = arith.addi %rem3A_68, %select_n3A_67 : i32
      %select_n3A_78 = arith.select %and3A_76, %add3A_77, %rem3A_68 : i32
      %mul3A_79 = arith.constant 3968 : i32
      %mul3A_80 = arith.muli %sub3A_60, %mul3A_79 : i32
      %dma_wait3A_81 = tpu.memref_slice %arg7[%select_n3A_78] : memref<2x!tpu.dma_semaphore, #tpu.memory_space<semaphore_mem>> -> memref<1x!tpu.dma_semaphore, #tpu.memory_space<semaphore_mem>>
      %dma_wait3A_82 = tpu.memref_squeeze %dma_wait3A_81 : memref<1x!tpu.dma_semaphore, #tpu.memory_space<semaphore_mem>> -> memref<!tpu.dma_semaphore, #tpu.memory_space<semaphore_mem>>
      %dma_wait3A_83 = arith.constant 0 : i32
      %dma_wait3A_84 = tpu.memref_slice %arg3[%mul3A_80, %dma_wait3A_83] : memref<500000x128xf32, #tpu.memory_space<hbm>> -> memref<3968x128xf32, #tpu.memory_space<hbm>>
      %dma_wait3A_85 = arith.constant 0 : i32
      %dma_wait3A_86 = arith.constant 0 : i32
      %dma_wait3A_87 = tpu.memref_slice %arg5[%select_n3A_78, %dma_wait3A_85, %dma_wait3A_86] : memref<2x3968x128xf32, #tpu.memory_space<vmem>> -> memref<1x3968x128xf32, #tpu.memory_space<vmem>>
      %dma_wait3A_88 = tpu.memref_squeeze %dma_wait3A_87 : memref<1x3968x128xf32, #tpu.memory_space<vmem>> -> memref<3968x128xf32, #tpu.memory_space<vmem>>
      tpu.wait_dma2 semaphore(%dma_wait3A_82 : memref<!tpu.dma_semaphore, #tpu.memory_space<semaphore_mem>>) src(%dma_wait3A_88 : memref<3968x128xf32, #tpu.memory_space<vmem>>) dst(%dma_wait3A_84 : memref<3968x128xf32, #tpu.memory_space<hbm>>)
      %mul3A_89 = arith.constant 3968 : i32
      %mul3A_90 = arith.muli %arg0, %mul3A_89 : i32
      %dma_wait3A_91 = tpu.memref_slice %arg7[%select_n3A_7] : memref<2x!tpu.dma_semaphore, #tpu.memory_space<semaphore_mem>> -> memref<1x!tpu.dma_semaphore, #tpu.memory_space<semaphore_mem>>
      %dma_wait3A_92 = tpu.memref_squeeze %dma_wait3A_91 : memref<1x!tpu.dma_semaphore, #tpu.memory_space<semaphore_mem>> -> memref<!tpu.dma_semaphore, #tpu.memory_space<semaphore_mem>>
      %dma_wait3A_93 = arith.constant 0 : i32
      %dma_wait3A_94 = tpu.memref_slice %arg3[%mul3A_90, %dma_wait3A_93] : memref<500000x128xf32, #tpu.memory_space<hbm>> -> memref<3968x128xf32, #tpu.memory_space<hbm>>
      %dma_wait3A_95 = arith.constant 0 : i32
      %dma_wait3A_96 = arith.constant 0 : i32
      %dma_wait3A_97 = tpu.memref_slice %arg5[%select_n3A_7, %dma_wait3A_95, %dma_wait3A_96] : memref<2x3968x128xf32, #tpu.memory_space<vmem>> -> memref<1x3968x128xf32, #tpu.memory_space<vmem>>
      %dma_wait3A_98 = tpu.memref_squeeze %dma_wait3A_97 : memref<1x3968x128xf32, #tpu.memory_space<vmem>> -> memref<3968x128xf32, #tpu.memory_space<vmem>>
      tpu.wait_dma2 semaphore(%dma_wait3A_92 : memref<!tpu.dma_semaphore, #tpu.memory_space<semaphore_mem>>) src(%dma_wait3A_98 : memref<3968x128xf32, #tpu.memory_space<vmem>>) dst(%dma_wait3A_94 : memref<3968x128xf32, #tpu.memory_space<hbm>>)
      %get3A_99 = arith.constant 0 : index
      %get3A_100 = arith.constant 0 : index
      %get3A_101 = vector.load %arg2[%get3A_99, %get3A_100] : memref<64x64xf32, #tpu.memory_space<vmem>>, vector<64x64xf32>
      %dot_general3A_102 = arith.constant dense<0.000000e+00> : vector<64x64xf32>
      %dot_general3A_103 = tpu.matmul %get3A_101, %convert_element_type3A_34, %dot_general3A_102 {dimension_numbers = #tpu.dot_dimension_numbers<[0], [0], [1], [1], [0, 1, 1, 1], [], []>, transpose_lhs_hint = false} : vector<64x64xf32>, vector<64x64xf32>, vector<64x64xf32> -> vector<64x64xf32>
      %slice3A_104 = vector.extract_strided_slice %dot_general3A_103 {offsets = [0, 0], sizes = [32, 64], strides = [1, 1]} : vector<64x64xf32> to vector<32x64xf32>
      %slice3A_105 = vector.extract_strided_slice %dot_general3A_103 {offsets = [32, 0], sizes = [32, 64], strides = [1, 1]} : vector<64x64xf32> to vector<32x64xf32>
      %concatenate3A_106 = tpu.concatenate %slice3A_104, %slice3A_105 in 1 : vector<32x64xf32>, vector<32x64xf32> -> vector<32x128xf32>
      %swap3A_107 = arith.constant 0 : index
      %swap3A_108 = arith.constant 0 : index
      %swap3A_109 = arith.constant 0 : index
      %swap3A_110 = vector.load %arg5[%swap3A_107, %swap3A_108, %swap3A_109] : memref<2x3968x128xf32, #tpu.memory_space<vmem>>, vector<1x32x128xf32>
      %swap3A_111 = vector.shape_cast %swap3A_110 : vector<1x32x128xf32> to vector<32x128xf32>
      %swap3A_112 = vector.shape_cast %concatenate3A_106 : vector<32x128xf32> to vector<1x32x128xf32>
      tpu.vector_store %arg5[%swap3A_107, %swap3A_108, %swap3A_109], %swap3A_112 {strides = array<i32>} : memref<2x3968x128xf32, #tpu.memory_space<vmem>>, vector<1x32x128xf32>,
      %dma_start3A_113 = arith.constant 0 : i32
      %dma_start3A_114 = arith.constant 0 : i32
      %dma_start3A_115 = tpu.memref_slice %arg6[%dma_start3A_114] : memref<2x!tpu.dma_semaphore, #tpu.memory_space<semaphore_mem>> -> memref<1x!tpu.dma_semaphore, #tpu.memory_space<semaphore_mem>>
      %dma_start3A_116 = tpu.memref_squeeze %dma_start3A_115 : memref<1x!tpu.dma_semaphore, #tpu.memory_space<semaphore_mem>> -> memref<!tpu.dma_semaphore, #tpu.memory_space<semaphore_mem>>
      %dma_start3A_117 = arith.constant 499968 : i32
      %dma_start3A_118 = arith.constant 0 : i32
      %dma_start3A_119 = tpu.memref_slice %arg3[%dma_start3A_117, %dma_start3A_118] : memref<500000x128xf32, #tpu.memory_space<hbm>> -> memref<32x128xf32, #tpu.memory_space<hbm>>
      %dma_start3A_120 = arith.constant 0 : i32
      %dma_start3A_121 = arith.constant 0 : i32
      %dma_start3A_122 = tpu.memref_slice %arg5[%dma_start3A_113, %dma_start3A_120, %dma_start3A_121] : memref<2x3968x128xf32, #tpu.memory_space<vmem>> -> memref<1x3968x128xf32, #tpu.memory_space<vmem>>
      %dma_start3A_123 = tpu.memref_squeeze %dma_start3A_122 : memref<1x3968x128xf32, #tpu.memory_space<vmem>> -> memref<3968x128xf32, #tpu.memory_space<vmem>>
      %dma_start3A_124 = arith.constant 0 : i32
      %dma_start3A_125 = arith.constant 0 : i32
      %dma_start3A_126 = tpu.memref_slice %dma_start3A_123[%dma_start3A_124, %dma_start3A_125] : memref<3968x128xf32, #tpu.memory_space<vmem>> -> memref<32x128xf32, #tpu.memory_space<vmem>>
      tpu.enqueue_dma source(%dma_start3A_126 : memref<32x128xf32, #tpu.memory_space<vmem>>) target(%dma_start3A_119 : memref<32x128xf32, #tpu.memory_space<hbm>>) target_semaphore(%dma_start3A_116 : memref<!tpu.dma_semaphore, #tpu.memory_space<semaphore_mem>>)
      %dma_wait3A_127 = arith.constant 0 : i32
      %dma_wait3A_128 = arith.constant 0 : i32
      %dma_wait3A_129 = tpu.memref_slice %arg6[%dma_wait3A_128] : memref<2x!tpu.dma_semaphore, #tpu.memory_space<semaphore_mem>> -> memref<1x!tpu.dma_semaphore, #tpu.memory_space<semaphore_mem>>
      %dma_wait3A_130 = tpu.memref_squeeze %dma_wait3A_129 : memref<1x!tpu.dma_semaphore, #tpu.memory_space<semaphore_mem>> -> memref<!tpu.dma_semaphore, #tpu.memory_space<semaphore_mem>>
      %dma_wait3A_131 = arith.constant 499968 : i32
      %dma_wait3A_132 = arith.constant 0 : i32
      %dma_wait3A_133 = tpu.memref_slice %arg3[%dma_wait3A_131, %dma_wait3A_132] : memref<500000x128xf32, #tpu.memory_space<hbm>> -> memref<32x128xf32, #tpu.memory_space<hbm>>
      %dma_wait3A_134 = arith.constant 0 : i32
      %dma_wait3A_135 = arith.constant 0 : i32
      %dma_wait3A_136 = tpu.memref_slice %arg5[%dma_wait3A_127, %dma_wait3A_134, %dma_wait3A_135] : memref<2x3968x128xf32, #tpu.memory_space<vmem>> -> memref<1x3968x128xf32, #tpu.memory_space<vmem>>
      %dma_wait3A_137 = tpu.memref_squeeze %dma_wait3A_136 : memref<1x3968x128xf32, #tpu.memory_space<vmem>> -> memref<3968x128xf32, #tpu.memory_space<vmem>>
      %dma_wait3A_138 = arith.constant 0 : i32
      %dma_wait3A_139 = arith.constant 0 : i32
      %dma_wait3A_140 = tpu.memref_slice %dma_wait3A_137[%dma_wait3A_138, %dma_wait3A_139] : memref<3968x128xf32, #tpu.memory_space<vmem>> -> memref<32x128xf32, #tpu.memory_space<vmem>>
      tpu.wait_dma2 semaphore(%dma_wait3A_130 : memref<!tpu.dma_semaphore, #tpu.memory_space<semaphore_mem>>) src(%dma_wait3A_140 : memref<32x128xf32, #tpu.memory_space<vmem>>) dst(%dma_wait3A_133 : memref<32x128xf32, #tpu.memory_space<hbm>>)
    } else {
    }
    return
  }
  func.func @transform_1(%arg0: i32) -> (i32, i32) {
    %c0_i32 = arith.constant 0 : i32
    %c0_i32_0 = arith.constant 0 : i32
    %c0_i32_1 = arith.constant 0 : i32
    return %c0_i32, %c0_i32_0 : i32, i32
  }
}

module attributes {stable_mosaic.version = 14 : i64} {
  func.func @_unpack_out_kernel(%arg0: i32, %arg1: memref<1x2048x128xf32, #tpu.memory_space<vmem>>, %arg2: memref<1x64x4096xf32, #tpu.memory_space<vmem>>) attributes {dimension_semantics = [#tpu.dimension_semantics<arbitrary>], iteration_bounds = array<i64: 100>, scalar_prefetch = 0 : i64, scratch_operands = 0 : i64, tpu.core_type = #tpu.core_type<tc>, window_params = [{transform_indices = @transform_0, window_bounds = array<i64: 1, 2048, 128>}, {transform_indices = @transform_1, window_bounds = array<i64: 1, 64, 4096>}]} {
    %iota3A = tpu.iota {dimensions = array<i32: 0>} : vector<128x128xi32>
    %iota3A_0 = tpu.iota {dimensions = array<i32: 1>} : vector<128x128xi32>
    %add3A = arith.constant 0 : i32
    %add3A_1 = vector.broadcast %add3A : i32 to vector<128x128xi32>
    %add3A_2 = arith.addi %iota3A, %add3A_1 : vector<128x128xi32>
    %eq3A = arith.cmpi eq, %add3A_2, %iota3A_0 : vector<128x128xi32>
    %convert_element_type3A = arith.extui %eq3A : vector<128x128xi1> to vector<128x128xi32>
    %convert_element_type3A_3 = arith.sitofp %convert_element_type3A : vector<128x128xi32> to vector<128x128xf32>
    %get3A = arith.constant 0 : index
    %get3A_4 = arith.constant 0 : index
    %get3A_5 = arith.constant 0 : index
    %get3A_6 = vector.load %arg1[%get3A, %get3A_4, %get3A_5] : memref<1x2048x128xf32, #tpu.memory_space<vmem>>, vector<1x2048x128xf32>
    %get3A_7 = vector.shape_cast %get3A_6 : vector<1x2048x128xf32> to vector<2048x128xf32>
    %dot_general3A = arith.constant dense<0.000000e+00> : vector<128x2048xf32>
    %dot_general3A_8 = tpu.matmul %convert_element_type3A_3, %get3A_7, %dot_general3A {dimension_numbers = #tpu.dot_dimension_numbers<[1], [1], [0], [0], [0, 0, 1, 0], [], []>, transpose_lhs_hint = false} : vector<128x128xf32>, vector<2048x128xf32>, vector<128x2048xf32> -> vector<128x2048xf32>
    %slice3A = vector.extract_strided_slice %dot_general3A_8 {offsets = [0, 0], sizes = [64, 2048], strides = [1, 1]} : vector<128x2048xf32> to vector<64x2048xf32>
    %swap3A = arith.constant 0 : index
    %swap3A_9 = arith.constant 0 : index
    %swap3A_10 = arith.constant 0 : index
    %swap3A_11 = vector.load %arg2[%swap3A, %swap3A_9, %swap3A_10] : memref<1x64x4096xf32, #tpu.memory_space<vmem>>, vector<1x64x2048xf32>
    %swap3A_12 = vector.shape_cast %swap3A_11 : vector<1x64x2048xf32> to vector<64x2048xf32>
    %swap3A_13 = vector.shape_cast %slice3A : vector<64x2048xf32> to vector<1x64x2048xf32>
    tpu.vector_store %arg2[%swap3A, %swap3A_9, %swap3A_10], %swap3A_13 {strides = array<i32>} : memref<1x64x4096xf32, #tpu.memory_space<vmem>>, vector<1x64x2048xf32>,
    %slice3A_14 = vector.extract_strided_slice %dot_general3A_8 {offsets = [64, 0], sizes = [64, 2048], strides = [1, 1]} : vector<128x2048xf32> to vector<64x2048xf32>
    %swap3A_15 = arith.constant 0 : index
    %swap3A_16 = arith.constant 0 : index
    %swap3A_17 = arith.constant 2048 : index
    %swap3A_18 = vector.load %arg2[%swap3A_15, %swap3A_16, %swap3A_17] : memref<1x64x4096xf32, #tpu.memory_space<vmem>>, vector<1x64x2048xf32>
    %swap3A_19 = vector.shape_cast %swap3A_18 : vector<1x64x2048xf32> to vector<64x2048xf32>
    %swap3A_20 = vector.shape_cast %slice3A_14 : vector<64x2048xf32> to vector<1x64x2048xf32>
    tpu.vector_store %arg2[%swap3A_15, %swap3A_16, %swap3A_17], %swap3A_20 {strides = array<i32>} : memref<1x64x4096xf32, #tpu.memory_space<vmem>>, vector<1x64x2048xf32>,
    return
  }
  func.func @transform_0(%arg0: i32) -> (i32, i32, i32) {
    %c0_i32 = arith.constant 0 : i32
    %c0_i32_0 = arith.constant 0 : i32
    %c0_i32_1 = arith.constant 0 : i32
    return %arg0, %c0_i32, %c0_i32_0 : i32, i32, i32
  }
  func.func @transform_1(%arg0: i32) -> (i32, i32, i32) {
    %add3A = arith.constant 0 : i32
    %add3A_0 = arith.addi %arg0, %add3A : i32
    %c0_i32 = arith.constant 0 : i32
    %c0_i32_1 = arith.constant 0 : i32
    %c0_i32_2 = arith.constant 0 : i32
    return %add3A_0, %c0_i32, %c0_i32_1 : i32, i32, i32
  }
}

module attributes {stable_mosaic.version = 14 : i64} {
  func.func @_unpack_out_kernel(%arg0: i32, %arg1: memref<1x2048x128xf32, #tpu.memory_space<vmem>>, %arg2: memref<200x64x4096xf32, #tpu.memory_space<hbm>>, %arg3: memref<1x64x4096xf32, #tpu.memory_space<vmem>>) attributes {dimension_semantics = [#tpu.dimension_semantics<arbitrary>], iteration_bounds = array<i64: 100>, scalar_prefetch = 0 : i64, scratch_operands = 0 : i64, tpu.core_type = #tpu.core_type<tc>, window_params = [{transform_indices = @transform_0, window_bounds = array<i64: 1, 2048, 128>}, {}, {transform_indices = @transform_2, window_bounds = array<i64: 1, 64, 4096>}]} {
    %iota3A = tpu.iota {dimensions = array<i32: 0>} : vector<128x128xi32>
    %iota3A_0 = tpu.iota {dimensions = array<i32: 1>} : vector<128x128xi32>
    %add3A = arith.constant 0 : i32
    %add3A_1 = vector.broadcast %add3A : i32 to vector<128x128xi32>
    %add3A_2 = arith.addi %iota3A, %add3A_1 : vector<128x128xi32>
    %eq3A = arith.cmpi eq, %add3A_2, %iota3A_0 : vector<128x128xi32>
    %convert_element_type3A = arith.extui %eq3A : vector<128x128xi1> to vector<128x128xi32>
    %convert_element_type3A_3 = arith.sitofp %convert_element_type3A : vector<128x128xi32> to vector<128x128xf32>
    %get3A = arith.constant 0 : index
    %get3A_4 = arith.constant 0 : index
    %get3A_5 = arith.constant 0 : index
    %get3A_6 = vector.load %arg1[%get3A, %get3A_4, %get3A_5] : memref<1x2048x128xf32, #tpu.memory_space<vmem>>, vector<1x2048x128xf32>
    %get3A_7 = vector.shape_cast %get3A_6 : vector<1x2048x128xf32> to vector<2048x128xf32>
    %dot_general3A = arith.constant dense<0.000000e+00> : vector<128x2048xf32>
    %dot_general3A_8 = tpu.matmul %convert_element_type3A_3, %get3A_7, %dot_general3A {dimension_numbers = #tpu.dot_dimension_numbers<[1], [1], [0], [0], [0, 0, 1, 0], [], []>, transpose_lhs_hint = false} : vector<128x128xf32>, vector<2048x128xf32>, vector<128x2048xf32> -> vector<128x2048xf32>
    %slice3A = vector.extract_strided_slice %dot_general3A_8 {offsets = [0, 0], sizes = [64, 2048], strides = [1, 1]} : vector<128x2048xf32> to vector<64x2048xf32>
    %swap3A = arith.constant 0 : index
    %swap3A_9 = arith.constant 0 : index
    %swap3A_10 = arith.constant 0 : index
    %swap3A_11 = vector.load %arg3[%swap3A, %swap3A_9, %swap3A_10] : memref<1x64x4096xf32, #tpu.memory_space<vmem>>, vector<1x64x2048xf32>
    %swap3A_12 = vector.shape_cast %swap3A_11 : vector<1x64x2048xf32> to vector<64x2048xf32>
    %swap3A_13 = vector.shape_cast %slice3A : vector<64x2048xf32> to vector<1x64x2048xf32>
    tpu.vector_store %arg3[%swap3A, %swap3A_9, %swap3A_10], %swap3A_13 {strides = array<i32>} : memref<1x64x4096xf32, #tpu.memory_space<vmem>>, vector<1x64x2048xf32>,
    %slice3A_14 = vector.extract_strided_slice %dot_general3A_8 {offsets = [64, 0], sizes = [64, 2048], strides = [1, 1]} : vector<128x2048xf32> to vector<64x2048xf32>
    %swap3A_15 = arith.constant 0 : index
    %swap3A_16 = arith.constant 0 : index
    %swap3A_17 = arith.constant 2048 : index
    %swap3A_18 = vector.load %arg3[%swap3A_15, %swap3A_16, %swap3A_17] : memref<1x64x4096xf32, #tpu.memory_space<vmem>>, vector<1x64x2048xf32>
    %swap3A_19 = vector.shape_cast %swap3A_18 : vector<1x64x2048xf32> to vector<64x2048xf32>
    %swap3A_20 = vector.shape_cast %slice3A_14 : vector<64x2048xf32> to vector<1x64x2048xf32>
    tpu.vector_store %arg3[%swap3A_15, %swap3A_16, %swap3A_17], %swap3A_20 {strides = array<i32>} : memref<1x64x4096xf32, #tpu.memory_space<vmem>>, vector<1x64x2048xf32>,
    return
  }
  func.func @transform_0(%arg0: i32) -> (i32, i32, i32) {
    %c0_i32 = arith.constant 0 : i32
    %c0_i32_0 = arith.constant 0 : i32
    %c0_i32_1 = arith.constant 0 : i32
    return %arg0, %c0_i32, %c0_i32_0 : i32, i32, i32
  }
  func.func @transform_2(%arg0: i32) -> (i32, i32, i32) {
    %add3A = arith.constant 100 : i32
    %add3A_0 = arith.addi %arg0, %add3A : i32
    %c0_i32 = arith.constant 0 : i32
    %c0_i32_1 = arith.constant 0 : i32
    %c0_i32_2 = arith.constant 0 : i32
    return %add3A_0, %c0_i32, %c0_i32_1 : i32, i32, i32
  }
}

</mosaic_0001>

<sc_bundles>
// kernel: gather_offload_async_start
scs
__scs_entry_jumppad:
0x0: {  	(pc) =	sbr.rel $0x88, $3  }
0x1: {  	(tag) =	ssettag $0x0;
	lr =	simm.s32 $0x1  }
0x2: {  	[smem:$0x3F9F] =	sst lr;
	_ =	strace $0xD0000000  }
0x3: {  	_ = 	snop  }
0x4: {  	_ = 	snop  }
0x5: {  	_ = 	snop  }
0x6: {  	_ = 	snop  }
0x7: {  	_ = 	snop  }
__scs_overlays_trampoline_lowered:
0x8: {  	[smem:$0x3FAE] =	sst s0  }
0x9: {  	[smem:$0x3FAF] =	sst s1  }
0xa: {  	[smem:$0x3FB0] =	sst s2  }
0xb: {  	[smem:$0x3FB1] =	sst s3  }
0xc: {  	[smem:$0x3FB2] =	sst s4  }
0xd: {  	[smem:$0x3FB3] =	sst s5  }
0xe: {  	[smem:$0x3FB4] =	sst s6  }
0xf: {  	[smem:$0x3FB5] =	sst s7  }
0x10: {  	[smem:$0x3FB6] =	sst s8  }
0x11: {  	[smem:$0x3FB7] =	sst s9;
	s0 =	simm.s32 @!p0 $0x0  }
0x12: {  	s1 =	sld [smem:$0x3F9D];
	s0 =	simm.s32 @p0 $0x1  }
0x13: {  	[smem:$0x3FB8] =	sst s0;
	s0 =	simm.s32 @!p1 $0x0  }
0x14: {  	s2 =	sld [smem:$0x3F9C];
	s0 =	simm.s32 @p1 $0x1  }
0x15: {  	[smem:$0x3FB9] =	sst s0;
	s0 =	simm.s32 @!p2 $0x0  }
0x16: {  	s3 =	sld [smem:$0x3FDB];
	s0 =	simm.s32 @p2 $0x1  }
0x17: {  	s4 =	simm.s32 $0x1BF5;
	[smem:$0x3FBB] =	sst s0  }
0x18: {  	s0 =	sld [smem:$0x3F9E];
	_ =	swait.ge [sflag:s4], $0x0  }
0x19: {  	s7 =	sld [smem:$0x3F9F]  }
0x1a: {  	s8 =	sadd.s32 $0xFFFFE003, lr  }
0x1b: {  	s9 =	sadd.s32 $0xFFFFFEF7, lr;
	s5 =	simm.s32 $0xFFFFFFFF;
	p2 =	slt.u32 s8, $0xFFFFF086  }
0x1c: {  	p1 =	slt.u32 s9, $0xF7A;
	s5 =	simm.s32 @!p2 $0x0  }
0x1d: {  	s5 =	simm.s32 @p1 $0x1;
	p0 =	seq.s32 s7, s2  }
0x1e: {  	s7 =	smul.u32 @!p0 $0xF7A, s2;
	p2 =	seq.s32 @!p0 s5, $0x0  }
0x1f: {  	s9 =	smul.u32 $0xF7A, s1;
	s8 =	simm.s32 @!p0 $0x1BF5;
	p2 =	por !p2, p0  }
0x20: {  	[sflag:s8] =	ssyncset.s32 @!p0 $0xFFFFF086;
	s6 =	sadd.s32 @!p0 s3, s7;
	s7 =	simm.s32 @!p0 $0x108  }
0x21: {  	s3 =	sadd.s32 s3, s9;
	s6 =	sadd.s32 @!p0 $0x88, s6;
	s7 =	simm.s32 @p2 $0x1082  }
0x22: {  	[simem:s7], [sflag:s8] =	dma.local @!p0 [hbm:s6], $0xF7A  }
0x23: {  	s9 =	sor.u32 $0xD0000000, s2;
	s6 =	simm.s32 $0x108;
	_ =	swait.ge @!p0 [sflag:s8], $0x0  }
0x24: {  	s3 =	sadd.s32 $0x88, s3;
	s6 =	simm.s32 @!p1 $0x1082;
	[sflag:s4] =	ssyncset.s32 $0xFFFFF086  }
0x25: {  	[simem:s6], [sflag:s4] =	dma.local [hbm:s3], $0xF7A  }
0x26: {  	[smem:$0x3F9F] =	sst s1;
	(tag) =	ssettag s2;
	_ =	strace s9  }
0x27: {  	s1 =	sld [smem:$0x3FAF]  }
0x28: {  	s2 =	sld [smem:$0x3FB0]  }
0x29: {  	s4 =	sld [smem:$0x3FB2]  }
0x2a: {  	p0 =	seq.s32 s5, $0x0;
	s5 =	sld [smem:$0x3FB3]  }
0x2b: {  	s6 =	sld [smem:$0x3FB4]  }
0x2c: {  	s7 =	sld [smem:$0x3FB5]  }
0x2d: {  	s3 =	simm.s32 $0x108;
	s8 =	sld [smem:$0x3FB6]  }
0x2e: {  	s3 =	simm.s32 @!p0 $0x1082;
	s9 =	sld [smem:$0x3FB7]  }
0x2f: {  	lr =	sadd.s32 s0, s3;
	s0 =	sld [smem:$0x3FAE]  }
0x30: {  	s3 =	sld [smem:$0x3FB1]  }
0x31: {  	[smem:$0x3FBA] =	sst s10  }
0x32: {  	s10 =	sld [smem:$0x3FB8];
	_ =	sdelay $0x3  }
0x33: {  	p0 =	seq.s32 s10, $0x1;
	s10 =	sld [smem:$0x3FBA];
	_ =	sdelay $0x3  }
0x34: {  	[smem:$0x3FBA] =	sst s10  }
0x35: {  	s10 =	sld [smem:$0x3FB9];
	_ =	sdelay $0x3  }
0x36: {  	p1 =	seq.s32 s10, $0x1;
	s10 =	sld [smem:$0x3FBA];
	_ =	sdelay $0x3  }
0x37: {  	[smem:$0x3FBA] =	sst s10  }
0x38: {  	s10 =	sld [smem:$0x3FBB]  }
0x39: {  	_ = 	snop;
	(pc) =	sbr.ind lr, $3  }
0x3a: {  	_ = 	snop  }
0x3b: {  	_ = 	snop  }
0x3c: {  	p2 =	seq.s32 s10, $0x1;
	s10 =	sld [smem:$0x3FBA]  }
0x3d: {  	_ =	shalt  }
0x3e: {  	_ =	shalt  }
0x3f: {  	_ =	shalt  }
0x40: {  	_ =	shalt  }
0x41: {  	_ =	shalt  }
0x42: {  	_ =	shalt  }
0x43: {  	_ =	shalt  }
0x44: {  	_ =	shalt  }
0x45: {  	_ =	shalt  }
0x46: {  	_ =	shalt  }
0x47: {  	_ =	shalt  }
0x48: {  	_ =	shalt  }
0x49: {  	_ =	shalt  }
0x4a: {  	_ =	shalt  }
0x4b: {  	_ =	shalt  }
0x4c: {  	_ =	shalt  }
0x4d: {  	_ =	shalt  }
0x4e: {  	_ =	shalt  }
0x4f: {  	_ =	shalt  }
0x50: {  	_ =	shalt  }
0x51: {  	_ =	shalt  }
0x52: {  	_ =	shalt  }
0x53: {  	_ =	shalt  }
0x54: {  	_ =	shalt  }
0x55: {  	_ =	shalt  }
0x56: {  	_ =	shalt  }
0x57: {  	_ =	shalt  }
0x58: {  	_ =	shalt  }
0x59: {  	_ =	shalt  }
0x5a: {  	_ =	shalt  }
0x5b: {  	_ =	shalt  }
0x5c: {  	_ =	shalt  }
0x5d: {  	_ =	shalt  }
0x5e: {  	_ =	shalt  }
0x5f: {  	_ =	shalt  }
0x60: {  	_ =	shalt  }
0x61: {  	_ =	shalt  }
0x62: {  	_ =	shalt  }
0x63: {  	_ =	shalt  }
0x64: {  	_ =	shalt  }
0x65: {  	_ =	shalt  }
0x66: {  	_ =	shalt  }
0x67: {  	_ =	shalt  }
0x68: {  	_ =	shalt  }
0x69: {  	_ =	shalt  }
0x6a: {  	_ =	shalt  }
0x6b: {  	_ =	shalt  }
0x6c: {  	_ =	shalt  }
0x6d: {  	_ =	shalt  }
0x6e: {  	_ =	shalt  }
0x6f: {  	_ =	shalt  }
0x70: {  	_ =	shalt  }
0x71: {  	_ =	shalt  }
0x72: {  	_ =	shalt  }
0x73: {  	_ =	shalt  }
0x74: {  	_ =	shalt  }
0x75: {  	_ =	shalt  }
0x76: {  	_ =	shalt  }
0x77: {  	_ =	shalt  }
0x78: {  	_ =	shalt  }
0x79: {  	_ =	shalt  }
0x7a: {  	_ =	shalt  }
0x7b: {  	_ =	shalt  }
0x7c: {  	_ =	shalt  }
0x7d: {  	_ =	shalt  }
0x7e: {  	_ =	shalt  }
0x7f: {  	_ =	shalt  }
0x80: {  	_ =	shalt  }
0x81: {  	_ =	shalt  }
0x82: {  	_ =	shalt  }
0x83: {  	_ =	shalt  }
0x84: {  	_ =	shalt  }
0x85: {  	_ =	shalt  }
0x86: {  	_ =	shalt  }
0x87: {  	_ =	shalt  }
.Lfunc_end0:
.L_simem_size_0:
called_computation_lowered:
.L_overlay_start_0:
0x88: {  	s2 =	sld [smem:$0x3FD9]  }
0x89: {  	s3 =	sld [smem:$0x3FFE];
	_ =	sdelay $0x1  }
0x8a: {  	s1 =	srdreg.scid  }
0x8b: {  	s0 =	sand.u32 $0x1, s1  }
0x8c: {  	s17 =	sshll.u32 s0, $0xA;
	s2 =	sadd.s32 s3, s2  }
0x8d: {  	s2 =	sadd.s32 s2, s17  }
0x8e: {  	[smem:$0x3FC6] =	sst s2  }
0x8f: {  	_ = 	snop  }
0x90: {  	s2 =	sld [smem:$0x3FD0];
	(tm) =	ssettm $0x1  }
0x91: {  	s18 =	sld [smem:$0x3FFB];
	_ =	sdelay $0x3  }
0x92: {  	_ =	strace s18  }
0x93: {  	s3 =	sld [smem:$0x3FFC];
	_ =	sdelay $0x3  }
0x94: {  	_ =	strace s3  }
0x95: {  	s3 =	sld [smem:$0x3FFD];
	_ =	sdelay $0x3  }
0x96: {  	_ =	strace s3  }
0x97: {  	_ =	strace $0x8FFFFFFF  }
0x98: {  	s19 =	sld [smem:$0x3FDB];
	_ =	sdelay $0x1  }
0x99: {  	s4 =	simm.s32 $_scs_section_size  }
0x9a: {  	s5 =	simm.s32 $_size__tile_overlayer_lowered;
	s6 =	simm.s32 $_tile_overlayer_lowered  }
0x9b: {  	s22 =	simm.s32 $0x1BFF;
	s21 =	sshll.u32 s6, $0x1;
	s3 =	sadd.s32 s4, s19  }
0x9c: {  	s7 =	simm.s32 $0x0;
	s20 =	sshll.u32 s5, $0x1;
	s5 =	sadd.s32 s21, s3  }
0x9d: {  	[timem:s7], [sflag:s22] =	dma.local [hbm:s5], s20  }
0x9e: {  	_ =	swait.ge [sflag:s22], s20  }
0x9f: {  	s4 =	ssub.s32 $0x0, s20;
	[sflag:s22] =	ssyncset.done $0x0  }
0xa0: {  	[sflag:s22] =	ssyncadd.s32 s4;
	_ =	sdelay $0x1  }
0xa1: {  	s23 =	simm.s32 $0x1B8B  }
0xa2: {  	_ =	swait.ge [sflag:s23], $0x1  }
0xa3: {  	[sflag:s23] =	ssyncset.done $0x0  }
0xa4: {  	s25 =	simm.s32 $0x1B8E;
	s24 =	sld [smem:$0x3FFE];
	[sflag:s23] =	ssyncadd.s32 $0xFFFFFFFF  }
0xa5: {  	s26 =	simm.s32 $execute0_lowered;
	[smem:$0x3FD2] =	sst s25  }
0xa6: {  	s5 =	sshll.u32 s26, $0x1;
	_ =	strace $0x80000046;
	[dreg:$0x1] =	wrdreg $0xFFFFFFFF  }
0xa7: {  	s28 =	simm.s32 $_size_execute0_lowered;
	s3 =	sadd.s32 s3, s5;
	[dreg:$0x0] =	wrdreg $0x0  }
0xa8: {  	s5 =	sshll.u32 s28, $0x1;
	[dreg:$0x2] =	wrdreg s3  }
0xa9: {  	[dreg:$0x3] =	wrdreg s5  }
0xaa: {  	[dreg:$0x4] =	wrdreg $0xC0  }
0xab: {  	_ =	task [dreg:s7], $0x5FFFF  }
0xac: {  	[dreg:$0x1] =	wrdreg $0xFFFFFFFF  }
0xad: {  	[dreg:$0x0] =	wrdreg $0x60  }
0xae: {  	[dreg:$0x2] =	wrdreg s2  }
0xaf: {  	[dreg:$0x3] =	wrdreg s24  }
0xb0: {  	[dreg:$0x4] =	wrdreg $0x9  }
0xb1: {  	_ =	task.clear_ibuf [dreg:s7], $0x5FFFF;
	_ =	strace $0x90000046  }
0xb2: {  	s29 =	simm.s32 $0x9;
	_ =	strace $0x80000048  }
0xb3: {  	_ =	swait.ge [sflag:s29], $0x1  }
0xb4: {  	[sflag:s29] =	ssyncadd.s32 $0xFFFFFFFF  }
0xb5: {  	_ =	strace $0x90000048  }
0xb6: {  	_ =	sfence  }
0xb7: {  	s30 =	sld [smem:$0x0];
	_ =	sdelay $0x2  }
0xb8: {  	s31 =	sshll.u32 s1, $0xD;
	s1 =	sshrl.u32 s1, $0x2  }
0xb9: {  	s3 =	sand.u32 $0x4000, s31;
	s1 =	sadd.s32 s1, s30  }
0xba: {  	s0 =	sor.u32 s3, s0;
	s1 =	sshll.u32 s1, $0x11  }
0xbb: {  	s0 =	sor.u32 s1, s0  }
0xbc: {  	s0 =	sadd.s32 $0x8F2B, s0  }
0xbd: {  	[sflag:s0] =	ssyncadd.remote.s32 $0x1  }
0xbe: {  	_ =	sfence.sel $0xFFFF  }
0xbf: {  	[dreg:$0x0] =	wrdreg $0xFFFFFFFF;
	(pc) =	sbr.abs _section_cstart, $3  }
0xc0: {  	[dreg:$0x1] =	wrdreg $0xFFFFFFFF  }
0xc1: {  	_ =	task.clear_ibuf [dreg:s7], $0x2FFFF;
	_ =	strace $0x9FFFFFFF  }
0xc2: {  	(tm) =	ssettm $0x7FFFFFFF  }
0xc3: {  	_ =	shalt  }
tec
execute0_lowered:
.L_overlay_start_1:
0x0: {  	(tag) =	ssettag $0x1  }
0x1: {  	s2 =	rddreg [dreg:$0x0]  }
0x2: {  	s7 =	rddreg [dreg:$0x1]  }
0x3: {  	s0 =	rddreg [dreg:$0x2]  }
0x4: {  	s1 =	srdreg.scid;
	_ =	strace $0x80000047;
	s4 =	simm.s32 $0x1  }
0x5: {  	s9 =	simm.s32 $0x3;
	s12 =	simm.s32 $0x0;
	s5 =	sshll.u32 s1, $0x4  }
.Ltmp0:
0x6: {  	s1 =	stileid.u32;
	s5 =	sand.u32 $0x10, s5;
	(pc) =	sbr.rel .LBB2_1-.Ltmp0, $4  }
0x7: {  	s10 =	simm.s32 $0x0;
	s3 =	sadd.s32 $0xE00, s7;
	s6 =	sor.u32 s1, s5  }
0x8: {  	[sflag:s4] =	ssyncpa.u1 $0x0;
	s5 =	simm.s32 $0x2;
	s6 =	sshll.u32 s6, $0x7  }
0x9: {  	s7 =	sadd.s32 $0x1000, s7;
	[sflag:s5] =	ssyncpa.u1 $0x0;
	s8 =	sadd.s32 $0x80, s6  }
0xa: {  	vm0 =	vmmov $0xff;
	vm1 =	vcmask $0x3F20;
	[sflag:s9] =	ssyncpa.u1 $0x0;
	s9 =	simm.s32 $0x80;
	s11 =	smov.u32 s6  }
.LBB2_10:
0xb: {  	[hbm:s16] =	stream.linear.scatter [tilespmem:s13], [sflag:$0x3], $0x800, $0x38;
	[tilespmem:$0x10100] =	vst v63  }
.LBB2_11:
0xc: {  	p0 =	seq.s32 s10, $0x2  }
.Ltmp1:
0xd: {  	_ = 	snop;
	(pc) =	sbr.rel @p0 .LBB2_13-.Ltmp1, $1  }
0xe: {  	_ =	sdelay $0x3  }
.LBB2_12:
0xf: {  	s12 =	sadd.s32 $0x80, s11  }
0x10: {  	s13 =	smov.u32 s6;
	p0 =	slt.s32 s12, s8  }
0x11: {  	s13 =	smov.u32 @p0 s12  }
0x12: {  	s10 =	sadd.s32 $0x1, s10;
	s12 =	smov.u32 s11;
	s11 =	smov.u32 s13  }
.LBB2_1:
0x13: {  	p0 =	sne.s32 s10, $0x0  }
.Ltmp2:
0x14: {  	_ = 	snop;
	(pc) =	sbr.rel @!p0 .LBB2_2-.Ltmp2, $1  }
0x15: {  	_ =	sdelay $0x3  }
0x16: {  	s13 =	sand.u32 $0x1, s10  }
0x17: {  	p0 =	seq.s32 s13, $0x0  }
.Ltmp3:
0x18: {  	_ = 	snop;
	(pc) =	sbr.rel @p0 .LBB2_11-.Ltmp3, $1  }
0x19: {  	_ =	sdelay $0x3  }
0x1a: {  	_ =	swait.ge [sflag:s5], $0x80  }
0x1b: {  	[sflag:s5] =	ssyncset.done $0x0  }
0x1c: {  	s13 =	simm.s32 $0x0;
	[sflag:s5] =	ssyncadd.s32 $0xFFFFFF80  }
.LBB2_5:
0x1d: {  	s14 =	sshll.u32 s13, $0x4  }
0x1e: {  	s14 =	sand.u32 $0x3FFFFFF0, s14  }
0x1f: {  	v0 =	vld.msk [tilespmem:s14+$0x80 ss:$0x1], $0xffff;
	_ =	sdelay $0x4  }
0x20: {  	vm2 =	vgt.s32 v0, $0x0  }
0x21: {  	v0 =	vnsel vm2, $0x0, v0  }
0x22: {  	v0 =	vmin.u32 v0, $0xFFF  }
0x23: {  	s31 =	sshll.u32 s13, $0xC;
	v1 =	vshll.u32 v0, $0x5;
	v0 =	vshll.u32 v0, $0x4  }
0x24: {  	s14 =	sand.u32 $0x3FFFF000, s31;
	v1 =	vand.u32 $0x1FF00, v1;
	v0 =	vand.u32 $0x70, v0  }
0x25: {  	p0 =	por $0x1, $0x1;
	s15 =	simm.s32 $0x0;
	s14 =	sadd.s32 $0x8100, s14;
	v0 =	vor.u32 v0, v1  }
.LBB2_6:
0x26: {  	_ =	sdelay $0x1  }
0x27: {  	s15 =	sshra.s32 s15, $0x2;
	p1 =	por p0, p0  }
.Ltmp4:
0x28: {  	s15 =	sadd.s32 s15, s14;
	(pc) =	sbr.rel @p1 .LBB2_6-.Ltmp4, $4  }
0x29: {  	[tilespmem:s15], [sflag:$0x1] =	stream.indirect_vreg.gather [hbm:s2], $0x80, v0, vm0, $0x38;
	[tilespmem:$0x10100] =	vst v63  }
0x2a: {  	s15 =	sadd.s32 $0x800, s15  }
0x2b: {  	[tilespmem:s15], [sflag:$0x1] =	stream.indirect_vreg.gather [hbm:s2], $0x80, v0, vm1, $0x38;
	[tilespmem:$0x10100] =	vst v63  }
0x2c: {  	p0 =	por $0x0, $0x0;
	v0 =	vadd.s32 $0x80, v0;
	s15 =	simm.s32 $0x1000  }
0x2d: {  	s13 =	sadd.s32 $0x1, s13  }
0x2e: {  	p0 =	sne.s32 s13, $0x8  }
.Ltmp5:
0x2f: {  	_ = 	snop;
	(pc) =	sbr.rel @p0 .LBB2_5-.Ltmp5, $1  }
0x30: {  	_ =	sdelay $0x3  }
0x31: {  	s13 =	sshll.u32 s12, $0x5  }
0x32: {  	_ =	swait.ge [sflag:s4], $0x8000;
	s31 =	sshll.u32 s12, $0x4;
	s13 =	sand.u32 $0xFFFFFF00, s13  }
0x33: {  	s14 =	simm.s32 $0x100;
	s12 =	sand.u32 $0x70, s31;
	s13 =	sadd.s32 s13, s7  }
0x34: {  	s15 =	simm.s32 $0x8900;
	[sflag:s4] =	ssyncset.done $0x0;
	s12 =	sadd.s32 s12, s13  }
0x35: {  	[sflag:s4] =	ssyncadd.s32 $0xFFFF8000;
	s13 =	simm.s32 $0x8100;
	s16 =	sadd.s32 $0x0, s12  }
.LBB2_9:
0x36: {  	[hbm:s16] =	stream.linear.scatter [tilespmem:s13], [sflag:$0x3], $0x800, $0x38;
	[tilespmem:$0x10100] =	vst v63  }
0x37: {  	s16 =	smov.u32 s14;
	s13 =	smov.u32 s15;
	p0 =	sne.s32 s14, $0xF00  }
.Ltmp6:
0x38: {  	s14 =	sadd.s32 $0x100, s14;
	(pc) =	sbr.rel @p0 .LBB2_9-.Ltmp6, $2  }
0x39: {  	_ =	sdelay $0x2  }
0x3a: {  	s15 =	sadd.s32 $0x800, s15;
	s16 =	sadd.s32 s16, s12  }
.Ltmp7:
0x3b: {  	_ = 	snop;
	(pc) =	sbr.rel .LBB2_10-.Ltmp7, $1  }
0x3c: {  	_ =	sdelay $0x3  }
.LBB2_2:
.Ltmp8:
0x3d: {  	(pc) =	sbr.rel .LBB2_12-.Ltmp8, $4  }
0x3e: {  	_ = 	snop  }
0x3f: {  	s12 =	sshrl.u32 s11, $0x3  }
0x40: {  	s13 =	sand.u32 $0x7, s11;
	s12 =	sadd.s32 s3, s12  }
0x41: {  	[tilespmem:s9], [sflag:$0x2] =	stream.linear.gather [hbm4b:s12+s13], $0x80, $0x38;
	[tilespmem:$0x10100] =	vst v63  }
.LBB2_13:
0x42: {  	s2 =	simm.s32 $0x3  }
0x43: {  	_ =	swait.ge [sflag:s2], $0x8000  }
0x44: {  	[sflag:s2] =	ssyncset.done $0x0  }
0x45: {  	[sflag:s2] =	ssyncadd.s32 $0xFFFF8000  }
0x46: {  	_ =	sfence.sel $0x180000  }
0x47: {  	s3 =	simm.s32 $0x2;
	[bflag:$0x0] =	sbarrier.arrive $0xFFFF  }
0x48: {  	[sflag:s3] =	ssyncpa.u1 $0x1  }
0x49: {  	s31 =	simm.s32 $0x1;
	[sflag:s2] =	ssyncpa.u1 $0x1  }
0x4a: {  	[sflag:s31] =	ssyncpa.u1 $0x1  }
0x4b: {  	p0 =	sne.s32 s1, $0x0;
	_ =	strace $0x90000047  }
0x4c: {  	s0 =	sadd.s32 @!p0 $0x100000, s0;
	[bflag:$0x2] =	sbarrier.arrive $0xFFFF  }
0x4d: {  	[sflag:s0] =	ssyncadd.tile.s32 @!p0 $0x1;
	_ =	shalt  }
.Lfunc_end2:
_tile_overlayer_lowered:
.L_overlay_start_2:
0x4e: {  	(tag) =	ssettag $0x2  }
0x4f: {  	s0 =	rddreg [dreg:$0x0];
	s2 =	stileid.u32  }
0x50: {  	s1 =	rddreg [dreg:$0x1];
	p0 =	sne.s32 s2, $0x0  }
0x51: {  	s3 =	rddreg [dreg:$0x2];
	[bflag:$0x3] =	sbarrier.arrive $0xFFFF;
	s2 =	simm.s32 @!p0 $0x1C01  }
0x52: {  	[timem:s3], [sflag:s2] =	dma.local @!p0 [hbm:s0], s1  }
0x53: {  	s0 =	simm.s32 @!p0 $0x1  }
0x54: {  	_ =	swait.ge @!p0 [sflag:s0], s1  }
0x55: {  	s1 =	ssub.s32 @!p0 $0x0, s1;
	[sflag:s0] =	ssyncset.done @!p0 $0x0  }
0x56: {  	[sflag:s0] =	ssyncadd.s32 @!p0 s1  }
0x57: {  	[bflag:$0x3] =	sbarrier.arrive $0xFFFF  }
0x58: {  	_ =	shalt  }

// kernel: kernel.10.cloned.1.call-start
scs
__scs_entry_jumppad:
0x0: {  	(pc) =	sbr.rel $0x88, $3  }
0x1: {  	(tag) =	ssettag $0x0;
	lr =	simm.s32 $0x1  }
0x2: {  	[smem:$0x3F9F] =	sst lr;
	_ =	strace $0xD0000000  }
0x3: {  	_ = 	snop  }
0x4: {  	_ = 	snop  }
0x5: {  	_ = 	snop  }
0x6: {  	_ = 	snop  }
0x7: {  	_ = 	snop  }
__scs_overlays_trampoline_lowered:
0x8: {  	[smem:$0x3FAE] =	sst s0  }
0x9: {  	[smem:$0x3FAF] =	sst s1  }
0xa: {  	[smem:$0x3FB0] =	sst s2  }
0xb: {  	[smem:$0x3FB1] =	sst s3  }
0xc: {  	[smem:$0x3FB2] =	sst s4  }
0xd: {  	[smem:$0x3FB3] =	sst s5  }
0xe: {  	[smem:$0x3FB4] =	sst s6  }
0xf: {  	[smem:$0x3FB5] =	sst s7  }
0x10: {  	[smem:$0x3FB6] =	sst s8  }
0x11: {  	[smem:$0x3FB7] =	sst s9;
	s0 =	simm.s32 @!p0 $0x0  }
0x12: {  	s1 =	sld [smem:$0x3F9D];
	s0 =	simm.s32 @p0 $0x1  }
0x13: {  	[smem:$0x3FB8] =	sst s0;
	s0 =	simm.s32 @!p1 $0x0  }
0x14: {  	s2 =	sld [smem:$0x3F9C];
	s0 =	simm.s32 @p1 $0x1  }
0x15: {  	[smem:$0x3FB9] =	sst s0;
	s0 =	simm.s32 @!p2 $0x0  }
0x16: {  	s3 =	sld [smem:$0x3FDB];
	s0 =	simm.s32 @p2 $0x1  }
0x17: {  	s4 =	simm.s32 $0x1BF5;
	[smem:$0x3FBB] =	sst s0  }
0x18: {  	s0 =	sld [smem:$0x3F9E];
	_ =	swait.ge [sflag:s4], $0x0  }
0x19: {  	s7 =	sld [smem:$0x3F9F]  }
0x1a: {  	s8 =	sadd.s32 $0xFFFFE003, lr  }
0x1b: {  	s9 =	sadd.s32 $0xFFFFFEF7, lr;
	s5 =	simm.s32 $0xFFFFFFFF;
	p2 =	slt.u32 s8, $0xFFFFF086  }
0x1c: {  	p1 =	slt.u32 s9, $0xF7A;
	s5 =	simm.s32 @!p2 $0x0  }
0x1d: {  	s5 =	simm.s32 @p1 $0x1;
	p0 =	seq.s32 s7, s2  }
0x1e: {  	s7 =	smul.u32 @!p0 $0xF7A, s2;
	p2 =	seq.s32 @!p0 s5, $0x0  }
0x1f: {  	s9 =	smul.u32 $0xF7A, s1;
	s8 =	simm.s32 @!p0 $0x1BF5;
	p2 =	por !p2, p0  }
0x20: {  	[sflag:s8] =	ssyncset.s32 @!p0 $0xFFFFF086;
	s6 =	sadd.s32 @!p0 s3, s7;
	s7 =	simm.s32 @!p0 $0x108  }
0x21: {  	s3 =	sadd.s32 s3, s9;
	s6 =	sadd.s32 @!p0 $0x88, s6;
	s7 =	simm.s32 @p2 $0x1082  }
0x22: {  	[simem:s7], [sflag:s8] =	dma.local @!p0 [hbm:s6], $0xF7A  }
0x23: {  	s9 =	sor.u32 $0xD0000000, s2;
	s6 =	simm.s32 $0x108;
	_ =	swait.ge @!p0 [sflag:s8], $0x0  }
0x24: {  	s3 =	sadd.s32 $0x88, s3;
	s6 =	simm.s32 @!p1 $0x1082;
	[sflag:s4] =	ssyncset.s32 $0xFFFFF086  }
0x25: {  	[simem:s6], [sflag:s4] =	dma.local [hbm:s3], $0xF7A  }
0x26: {  	[smem:$0x3F9F] =	sst s1;
	(tag) =	ssettag s2;
	_ =	strace s9  }
0x27: {  	s1 =	sld [smem:$0x3FAF]  }
0x28: {  	s2 =	sld [smem:$0x3FB0]  }
0x29: {  	s4 =	sld [smem:$0x3FB2]  }
0x2a: {  	p0 =	seq.s32 s5, $0x0;
	s5 =	sld [smem:$0x3FB3]  }
0x2b: {  	s6 =	sld [smem:$0x3FB4]  }
0x2c: {  	s7 =	sld [smem:$0x3FB5]  }
0x2d: {  	s3 =	simm.s32 $0x108;
	s8 =	sld [smem:$0x3FB6]  }
0x2e: {  	s3 =	simm.s32 @!p0 $0x1082;
	s9 =	sld [smem:$0x3FB7]  }
0x2f: {  	lr =	sadd.s32 s0, s3;
	s0 =	sld [smem:$0x3FAE]  }
0x30: {  	s3 =	sld [smem:$0x3FB1]  }
0x31: {  	[smem:$0x3FBA] =	sst s10  }
0x32: {  	s10 =	sld [smem:$0x3FB8];
	_ =	sdelay $0x3  }
0x33: {  	p0 =	seq.s32 s10, $0x1;
	s10 =	sld [smem:$0x3FBA];
	_ =	sdelay $0x3  }
0x34: {  	[smem:$0x3FBA] =	sst s10  }
0x35: {  	s10 =	sld [smem:$0x3FB9];
	_ =	sdelay $0x3  }
0x36: {  	p1 =	seq.s32 s10, $0x1;
	s10 =	sld [smem:$0x3FBA];
	_ =	sdelay $0x3  }
0x37: {  	[smem:$0x3FBA] =	sst s10  }
0x38: {  	s10 =	sld [smem:$0x3FBB]  }
0x39: {  	_ = 	snop;
	(pc) =	sbr.ind lr, $3  }
0x3a: {  	_ = 	snop  }
0x3b: {  	_ = 	snop  }
0x3c: {  	p2 =	seq.s32 s10, $0x1;
	s10 =	sld [smem:$0x3FBA]  }
0x3d: {  	_ =	shalt  }
0x3e: {  	_ =	shalt  }
0x3f: {  	_ =	shalt  }
0x40: {  	_ =	shalt  }
0x41: {  	_ =	shalt  }
0x42: {  	_ =	shalt  }
0x43: {  	_ =	shalt  }
0x44: {  	_ =	shalt  }
0x45: {  	_ =	shalt  }
0x46: {  	_ =	shalt  }
0x47: {  	_ =	shalt  }
0x48: {  	_ =	shalt  }
0x49: {  	_ =	shalt  }
0x4a: {  	_ =	shalt  }
0x4b: {  	_ =	shalt  }
0x4c: {  	_ =	shalt  }
0x4d: {  	_ =	shalt  }
0x4e: {  	_ =	shalt  }
0x4f: {  	_ =	shalt  }
0x50: {  	_ =	shalt  }
0x51: {  	_ =	shalt  }
0x52: {  	_ =	shalt  }
0x53: {  	_ =	shalt  }
0x54: {  	_ =	shalt  }
0x55: {  	_ =	shalt  }
0x56: {  	_ =	shalt  }
0x57: {  	_ =	shalt  }
0x58: {  	_ =	shalt  }
0x59: {  	_ =	shalt  }
0x5a: {  	_ =	shalt  }
0x5b: {  	_ =	shalt  }
0x5c: {  	_ =	shalt  }
0x5d: {  	_ =	shalt  }
0x5e: {  	_ =	shalt  }
0x5f: {  	_ =	shalt  }
0x60: {  	_ =	shalt  }
0x61: {  	_ =	shalt  }
0x62: {  	_ =	shalt  }
0x63: {  	_ =	shalt  }
0x64: {  	_ =	shalt  }
0x65: {  	_ =	shalt  }
0x66: {  	_ =	shalt  }
0x67: {  	_ =	shalt  }
0x68: {  	_ =	shalt  }
0x69: {  	_ =	shalt  }
0x6a: {  	_ =	shalt  }
0x6b: {  	_ =	shalt  }
0x6c: {  	_ =	shalt  }
0x6d: {  	_ =	shalt  }
0x6e: {  	_ =	shalt  }
0x6f: {  	_ =	shalt  }
0x70: {  	_ =	shalt  }
0x71: {  	_ =	shalt  }
0x72: {  	_ =	shalt  }
0x73: {  	_ =	shalt  }
0x74: {  	_ =	shalt  }
0x75: {  	_ =	shalt  }
0x76: {  	_ =	shalt  }
0x77: {  	_ =	shalt  }
0x78: {  	_ =	shalt  }
0x79: {  	_ =	shalt  }
0x7a: {  	_ =	shalt  }
0x7b: {  	_ =	shalt  }
0x7c: {  	_ =	shalt  }
0x7d: {  	_ =	shalt  }
0x7e: {  	_ =	shalt  }
0x7f: {  	_ =	shalt  }
0x80: {  	_ =	shalt  }
0x81: {  	_ =	shalt  }
0x82: {  	_ =	shalt  }
0x83: {  	_ =	shalt  }
0x84: {  	_ =	shalt  }
0x85: {  	_ =	shalt  }
0x86: {  	_ =	shalt  }
0x87: {  	_ =	shalt  }
.Lfunc_end0:
.L_simem_size_0:
called_computation.2_lowered:
.L_overlay_start_0:
0x88: {  	s2 =	sld [smem:$0x3FD9]  }
0x89: {  	s3 =	sld [smem:$0x3FFE];
	_ =	sdelay $0x1  }
0x8a: {  	s1 =	srdreg.scid  }
0x8b: {  	s0 =	sand.u32 $0x1, s1  }
0x8c: {  	s17 =	sshll.u32 s0, $0xA;
	s2 =	sadd.s32 s3, s2  }
0x8d: {  	s2 =	sadd.s32 s2, s17  }
0x8e: {  	[smem:$0x3FC6] =	sst s2  }
0x8f: {  	_ = 	snop  }
0x90: {  	(tm) =	ssettm $0x1  }
0x91: {  	s18 =	sld [smem:$0x3FFB];
	_ =	sdelay $0x3  }
0x92: {  	_ =	strace s18  }
0x93: {  	s2 =	sld [smem:$0x3FFC];
	_ =	sdelay $0x3  }
0x94: {  	_ =	strace s2  }
0x95: {  	s2 =	sld [smem:$0x3FFD];
	_ =	sdelay $0x3  }
0x96: {  	_ =	strace s2  }
0x97: {  	_ =	strace $0x8FFFFFFF  }
0x98: {  	s19 =	sld [smem:$0x3FDB];
	_ =	sdelay $0x1  }
0x99: {  	s20 =	simm.s32 $_scs_section_size  }
0x9a: {  	s4 =	simm.s32 $_size__tile_overlayer_lowered;
	s5 =	simm.s32 $_tile_overlayer_lowered  }
0x9b: {  	s6 =	simm.s32 $0x1BFF;
	s21 =	sshll.u32 s5, $0x1;
	s3 =	sadd.s32 s20, s19  }
0x9c: {  	s22 =	simm.s32 $0x0;
	s4 =	sshll.u32 s4, $0x1;
	s5 =	sadd.s32 s21, s3  }
0x9d: {  	[timem:s22], [sflag:s6] =	dma.local [hbm:s5], s4  }
0x9e: {  	_ =	swait.ge [sflag:s6], s4  }
0x9f: {  	s4 =	ssub.s32 $0x0, s4;
	[sflag:s6] =	ssyncset.done $0x0  }
0xa0: {  	[sflag:s6] =	ssyncadd.s32 s4;
	_ =	sdelay $0x1  }
0xa1: {  	s23 =	simm.s32 $0x1B8B  }
0xa2: {  	_ =	swait.ge [sflag:s23], $0x1  }
0xa3: {  	[sflag:s23] =	ssyncset.done $0x0  }
0xa4: {  	[sflag:s23] =	ssyncadd.s32 $0xFFFFFFFF  }
0xa5: {  	s4 =	sld [smem:$0x0]  }
0xa6: {  	s5 =	sand.u32 $0xFFFFFFFE, s1  }
0xa7: {  	p0 =	sne.s32 s1, s5  }
0xa8: {  	s5 =	sshll.u32 @p0 s5, $0xE  }
0xa9: {  	s5 =	sadd.s32 @p0 $0x11B8D, s5;
	s6 =	sshll.u32 @p0 s4, $0x11  }
0xaa: {  	s5 =	sor.u32 @p0 s6, s5  }
0xab: {  	[sflag:s5] =	ssyncadd.remote.s32 @p0 $0x1;
	_ =	sdelay $0x1  }
0xac: {  	s5 =	simm.s32 @p0 $0x1B8D  }
0xad: {  	_ =	swait.eq @p0 [sflag:s5], $0x1  }
0xae: {  	[sflag:s5] =	ssyncadd.s32 @p0 $0xFFFFFFFF  }
0xaf: {  	s6 =	sshll.u32 @!p0 s1, $0xE  }
0xb0: {  	s6 =	sor.u32 @!p0 $0x4000, s6;
	s5 =	simm.s32 @!p0 $0x1B8D  }
0xb1: {  	s4 =	sshll.u32 @!p0 s4, $0x11;
	s6 =	sadd.s32 @!p0 $0x11B8D, s6;
	_ =	swait.eq @!p0 [sflag:s5], $0x1  }
0xb2: {  	s4 =	sor.u32 @!p0 s4, s6;
	[sflag:s5] =	ssyncadd.s32 @!p0 $0xFFFFFFFF  }
0xb3: {  	s25 =	simm.s32 $0x1B8E;
	s24 =	sld [smem:$0x3FFE];
	[sflag:s4] =	ssyncadd.remote.s32 @!p0 $0x1  }
0xb4: {  	s26 =	simm.s32 $execute0_lowered;
	[smem:$0x3FD2] =	sst s25  }
0xb5: {  	s5 =	sshll.u32 s26, $0x1;
	_ =	strace $0x8000004C;
	[dreg:$0x1] =	wrdreg $0xFFFFFFFF  }
0xb6: {  	s28 =	simm.s32 $_size_execute0_lowered;
	s3 =	sadd.s32 s3, s5;
	[dreg:$0x0] =	wrdreg $0x0  }
0xb7: {  	s5 =	sshll.u32 s28, $0x1;
	[dreg:$0x2] =	wrdreg s3  }
0xb8: {  	[dreg:$0x3] =	wrdreg s5  }
0xb9: {  	[dreg:$0x4] =	wrdreg $0xC0  }
0xba: {  	_ =	task [dreg:s22], $0x5FFFF  }
0xbb: {  	[dreg:$0x1] =	wrdreg $0xFFFFFFFF  }
0xbc: {  	[dreg:$0x0] =	wrdreg $0x60  }
0xbd: {  	[dreg:$0x2] =	wrdreg s24  }
0xbe: {  	[dreg:$0x3] =	wrdreg $0xA  }
0xbf: {  	_ =	task.clear_ibuf [dreg:s22], $0x4FFFF;
	_ =	strace $0x9000004C  }
0xc0: {  	s29 =	simm.s32 $0xA;
	_ =	strace $0x8000004E  }
0xc1: {  	_ =	swait.ge [sflag:s29], $0x1  }
0xc2: {  	[sflag:s29] =	ssyncadd.s32 $0xFFFFFFFF  }
0xc3: {  	_ =	strace $0x9000004E  }
0xc4: {  	_ =	sfence  }
0xc5: {  	s30 =	sld [smem:$0x0];
	_ =	sdelay $0x2  }
0xc6: {  	s31 =	sshll.u32 s1, $0xD;
	s1 =	sshrl.u32 s1, $0x2  }
0xc7: {  	s4 =	sand.u32 $0x4000, s31;
	s1 =	sadd.s32 s1, s30  }
0xc8: {  	s0 =	sor.u32 s4, s0;
	s1 =	sshll.u32 s1, $0x11  }
0xc9: {  	s0 =	sor.u32 s1, s0  }
0xca: {  	s0 =	sadd.s32 $0x8F2B, s0  }
0xcb: {  	[sflag:s0] =	ssyncadd.remote.s32 $0x1  }
0xcc: {  	_ =	sfence.sel $0xFFFF  }
0xcd: {  	[dreg:$0x0] =	wrdreg $0xFFFFFFFF;
	(pc) =	sbr.abs _section_cstart, $3  }
0xce: {  	[dreg:$0x1] =	wrdreg $0xFFFFFFFF  }
0xcf: {  	_ =	task.clear_ibuf [dreg:s22], $0x2FFFF;
	_ =	strace $0x9FFFFFFF  }
0xd0: {  	(tm) =	ssettm $0x7FFFFFFF  }
0xd1: {  	_ =	shalt  }
tec
execute0_lowered:
.L_overlay_start_1:
0x0: {  	(tag) =	ssettag $0x1  }
0x1: {  	s1 =	srdreg.scid;
	s0 =	stileid.u32  }
0x2: {  	s4 =	rddreg [dreg:$0x0];
	s2 =	simm.s32 $0x0;
	s10 =	simm.s32 $0x5200  }
0x3: {  	s11 =	simm.s32 $0x7200;
	s12 =	simm.s32 $0x9200;
	s13 =	simm.s32 $0x1  }
0x4: {  	s14 =	simm.s32 $0x0;
	s3 =	sand.u32 $0x1, s1;
	s1 =	rddreg [dreg:$0x1]  }
0x5: {  	s5 =	sshll.u32 s0, $0x1;
	[smem:$0x7FF] =	sst s2;
	s6 =	smul.u32 $0x32000, s0  }
0x6: {  	s5 =	sor.u32 s3, s5;
	s7 =	ssub.s32 $0x2, s3;
	s9 =	smul.u32 $0x19000, s3  }
0x7: {  	_ =	strace $0x8000004D;
	s5 =	smul.u32 $0x3200, s5;
	s8 =	sshrl.u32 s7, $0x1  }
0x8: {  	s3 =	sadd.s32 $0x21000, s4;
	s6 =	sadd.s32 s6, s4;
	s7 =	ssub.s32 s7, s8  }
0x9: {  	s6 =	sadd.s32 s9, s6;
	s8 =	simm.s32 $0x80;
	s5 =	sshrl.u32 s5, $0x3  }
0xa: {  	s9 =	simm.s32 $0x3200;
	s6 =	sadd.s32 $0xAE2200, s6;
	s5 =	sadd.s32 s5, s4  }
0xb: {  	s4 =	sadd.s32 $0xE00, s5;
	s5 =	smax.u32 s7, $0x1;
	s7 =	simm.s32 $0x2  }
.LBB2_1:
0xc: {  	[tilespmem:s2], [sflag:$0x2] =	stream.linear.gather [hbm4b:s4+s2], $0x3200, $0x38;
	[tilespmem:$0xB200] =	vst v63  }
0xd: {  	_ =	swait.ge [sflag:s7], $0x3200  }
0xe: {  	[sflag:s7] =	ssyncset.done $0x0  }
0xf: {  	s15 =	simm.s32 $0x0;
	[sflag:s7] =	ssyncadd.s32 $0xFFFFCE00  }
0x10: {  	[tilespmem:s9], [sflag:$0x1] =	stream.indirect.gather [hbm4b:s3+s8], $0x40, s15, s8, $0xb8;
	[tilespmem:$0xB200] =	vst v63  }
0x11: {  	s28 =	simm.s32 $0x80  }
0x12: {  	[tilespmem:s10], [sflag:$0x1] =	stream.indirect.gather [hbm4b:s3+s8], $0x40, s28, s8, $0xb8;
	[tilespmem:$0xB200] =	vst v63  }
0x13: {  	s29 =	simm.s32 $0x100  }
0x14: {  	[tilespmem:s11], [sflag:$0x1] =	stream.indirect.gather [hbm4b:s3+s8], $0x40, s29, s8, $0xb8;
	[tilespmem:$0xB200] =	vst v63  }
0x15: {  	s30 =	simm.s32 $0x180  }
0x16: {  	[tilespmem:s12], [sflag:$0x1] =	stream.indirect.gather [hbm4b:s3+s8], $0x40, s30, s8, $0xb8;
	[tilespmem:$0xB200] =	vst v63  }
0x17: {  	_ =	swait.ge [sflag:s13], $0x2000  }
0x18: {  	[sflag:s13] =	ssyncset.done $0x0  }
0x19: {  	[sflag:s13] =	ssyncadd.s32 $0xFFFFE000  }
0x1a: {  	_ =	swait.ge [sflag:s13], $0x2000  }
0x1b: {  	[sflag:s13] =	ssyncset.done $0x0  }
0x1c: {  	[sflag:s13] =	ssyncadd.s32 $0xFFFFE000  }
0x1d: {  	_ =	swait.ge [sflag:s13], $0x2000  }
0x1e: {  	[sflag:s13] =	ssyncset.done $0x0  }
0x1f: {  	[sflag:s13] =	ssyncadd.s32 $0xFFFFE000  }
0x20: {  	_ =	swait.ge [sflag:s13], $0x2000  }
0x21: {  	[sflag:s13] =	ssyncset.done $0x0  }
0x22: {  	s31 =	sadd.s32 $0x0, s6;
	[sflag:s13] =	ssyncadd.s32 $0xFFFFE000  }
0x23: {  	[hbm4b:s31+s2] =	stream.linear.scatter [tilespmem:s9], [sflag:$0x2], $0x8000, $0x38;
	[tilespmem:$0xB200] =	vst v63  }
0x24: {  	s17 =	simm.s32 $0x2000;
	_ =	swait.ge [sflag:s7], $0x8000  }
0x25: {  	s16 =	simm.s32 $0x380;
	s15 =	simm.s32 $0x1000;
	[sflag:s7] =	ssyncset.done $0x0  }
.LBB2_2:
0x26: {  	p0 =	sne.s32 s17, $0x18000;
	s18 =	sadd.s32 $0xFFFFFE80, s16;
	[sflag:s7] =	ssyncadd.s32 $0xFFFF8000  }
0x27: {  	[tilespmem:s9], [sflag:$0x1] =	stream.indirect.gather [hbm4b:s3+s8], $0x40, s18, s8, $0xb8;
	[tilespmem:$0xB200] =	vst v63  }
0x28: {  	s19 =	smov.u32 s17;
	s17 =	sadd.s32 $0x1000, s17;
	s18 =	sadd.s32 $0xFFFFFF00, s16  }
0x29: {  	[tilespmem:s10], [sflag:$0x1] =	stream.indirect.gather [hbm4b:s3+s8], $0x40, s18, s8, $0xb8;
	[tilespmem:$0xB200] =	vst v63  }
0x2a: {  	s18 =	sadd.s32 $0xFFFFFF80, s16  }
0x2b: {  	[tilespmem:s11], [sflag:$0x1] =	stream.indirect.gather [hbm4b:s3+s8], $0x40, s18, s8, $0xb8;
	[tilespmem:$0xB200] =	vst v63  }
0x2c: {  	_ = 	snop  }
0x2d: {  	[tilespmem:s12], [sflag:$0x1] =	stream.indirect.gather [hbm4b:s3+s8], $0x40, s16, s8, $0xb8;
	[tilespmem:$0xB200] =	vst v63  }
0x2e: {  	_ =	swait.ge [sflag:s13], $0x2000  }
0x2f: {  	[sflag:s13] =	ssyncset.done $0x0  }
0x30: {  	[sflag:s13] =	ssyncadd.s32 $0xFFFFE000  }
0x31: {  	_ =	swait.ge [sflag:s13], $0x2000  }
0x32: {  	[sflag:s13] =	ssyncset.done $0x0  }
0x33: {  	[sflag:s13] =	ssyncadd.s32 $0xFFFFE000  }
0x34: {  	_ =	swait.ge [sflag:s13], $0x2000  }
0x35: {  	[sflag:s13] =	ssyncset.done $0x0  }
0x36: {  	[sflag:s13] =	ssyncadd.s32 $0xFFFFE000  }
0x37: {  	_ =	swait.ge [sflag:s13], $0x2000  }
.Ltmp0:
0x38: {  	[sflag:s13] =	ssyncset.done $0x0;
	(pc) =	sbr.rel @p0 .LBB2_2-.Ltmp0, $4  }
0x39: {  	s18 =	sadd.s32 s15, s6;
	s15 =	smov.u32 s19;
	[sflag:s13] =	ssyncadd.s32 $0xFFFFE000  }
0x3a: {  	[hbm4b:s18+s2] =	stream.linear.scatter [tilespmem:s9], [sflag:$0x2], $0x8000, $0x38;
	[tilespmem:$0xB200] =	vst v63  }
0x3b: {  	_ =	swait.ge [sflag:s7], $0x8000  }
0x3c: {  	s16 =	sadd.s32 $0x200, s16;
	[sflag:s7] =	ssyncset.done $0x0  }
0x3d: {  	s17 =	sadd.s32 $0xFFFFFE80, s16;
	[sflag:s7] =	ssyncadd.s32 $0xFFFF8000  }
0x3e: {  	[tilespmem:s9], [sflag:$0x1] =	stream.indirect.gather [hbm4b:s3+s8], $0x40, s17, s8, $0xb8;
	[tilespmem:$0xB200] =	vst v63  }
0x3f: {  	s30 =	sadd.s32 $0xFFFFFF00, s16  }
0x40: {  	[tilespmem:s10], [sflag:$0x1] =	stream.indirect.gather [hbm4b:s3+s8], $0x40, s30, s8, $0xb8;
	[tilespmem:$0xB200] =	vst v63  }
0x41: {  	s31 =	sadd.s32 $0xFFFFFF80, s16  }
0x42: {  	[tilespmem:s11], [sflag:$0x1] =	stream.indirect.gather [hbm4b:s3+s8], $0x40, s31, s8, $0xb8;
	[tilespmem:$0xB200] =	vst v63  }
0x43: {  	_ = 	snop  }
0x44: {  	[tilespmem:s12], [sflag:$0x1] =	stream.indirect.gather [hbm4b:s3+s8], $0x40, s16, s8, $0xb8;
	[tilespmem:$0xB200] =	vst v63  }
0x45: {  	_ =	swait.ge [sflag:s13], $0x2000  }
0x46: {  	[sflag:s13] =	ssyncset.done $0x0  }
0x47: {  	[sflag:s13] =	ssyncadd.s32 $0xFFFFE000  }
0x48: {  	_ =	swait.ge [sflag:s13], $0x2000  }
0x49: {  	[sflag:s13] =	ssyncset.done $0x0  }
0x4a: {  	[sflag:s13] =	ssyncadd.s32 $0xFFFFE000  }
0x4b: {  	_ =	swait.ge [sflag:s13], $0x2000  }
0x4c: {  	[sflag:s13] =	ssyncset.done $0x0  }
0x4d: {  	[sflag:s13] =	ssyncadd.s32 $0xFFFFE000  }
0x4e: {  	s14 =	sadd.s32 $0x1, s14;
	_ =	swait.ge [sflag:s13], $0x2000  }
0x4f: {  	p0 =	sne.s32 s14, s5;
	[sflag:s13] =	ssyncset.done $0x0  }
.Ltmp1:
0x50: {  	s15 =	sadd.s32 s15, s6;
	[sflag:s13] =	ssyncadd.s32 $0xFFFFE000;
	(pc) =	sbr.rel @p0 .LBB2_1-.Ltmp1, $4  }
0x51: {  	[hbm4b:s15+s2] =	stream.linear.scatter [tilespmem:s9], [sflag:$0x2], $0x8000, $0x38;
	[tilespmem:$0xB200] =	vst v63  }
0x52: {  	_ =	swait.ge [sflag:s7], $0x8000  }
0x53: {  	[sflag:s7] =	ssyncset.done $0x0  }
0x54: {  	[sflag:s7] =	ssyncadd.s32 $0xFFFF8000  }
0x55: {  	_ =	sfence.sel $0x180000  }
0x56: {  	[bflag:$0x0] =	sbarrier.arrive $0xFFFF  }
0x57: {  	p0 =	sne.s32 s0, $0x0;
	_ =	strace $0x9000004D  }
0x58: {  	s0 =	sadd.s32 @!p0 $0x100000, s1;
	[bflag:$0x2] =	sbarrier.arrive $0xFFFF  }
0x59: {  	[sflag:s0] =	ssyncadd.tile.s32 @!p0 $0x1;
	_ =	shalt  }
.Lfunc_end2:
_tile_overlayer_lowered:
.L_overlay_start_2:
0x5a: {  	(tag) =	ssettag $0x2  }
0x5b: {  	s0 =	rddreg [dreg:$0x0];
	s2 =	stileid.u32  }
0x5c: {  	s1 =	rddreg [dreg:$0x1];
	p0 =	sne.s32 s2, $0x0  }
0x5d: {  	s3 =	rddreg [dreg:$0x2];
	[bflag:$0x3] =	sbarrier.arrive $0xFFFF;
	s2 =	simm.s32 @!p0 $0x1C02  }
0x5e: {  	[timem:s3], [sflag:s2] =	dma.local @!p0 [hbm:s0], s1  }
0x5f: {  	s0 =	simm.s32 @!p0 $0x2  }
0x60: {  	_ =	swait.ge @!p0 [sflag:s0], s1  }
0x61: {  	s1 =	ssub.s32 @!p0 $0x0, s1;
	[sflag:s0] =	ssyncset.done @!p0 $0x0  }
0x62: {  	[sflag:s0] =	ssyncadd.s32 @!p0 s1  }
0x63: {  	[bflag:$0x3] =	sbarrier.arrive $0xFFFF  }
0x64: {  	_ =	shalt  }

// kernel: kernel.7.cloned.1.call-start
scs
__scs_entry_jumppad:
0x0: {  	(pc) =	sbr.rel $0x88, $3  }
0x1: {  	(tag) =	ssettag $0x0;
	lr =	simm.s32 $0x1  }
0x2: {  	[smem:$0x3F9F] =	sst lr;
	_ =	strace $0xD0000000  }
0x3: {  	_ = 	snop  }
0x4: {  	_ = 	snop  }
0x5: {  	_ = 	snop  }
0x6: {  	_ = 	snop  }
0x7: {  	_ = 	snop  }
__scs_overlays_trampoline_lowered:
0x8: {  	[smem:$0x3FAE] =	sst s0  }
0x9: {  	[smem:$0x3FAF] =	sst s1  }
0xa: {  	[smem:$0x3FB0] =	sst s2  }
0xb: {  	[smem:$0x3FB1] =	sst s3  }
0xc: {  	[smem:$0x3FB2] =	sst s4  }
0xd: {  	[smem:$0x3FB3] =	sst s5  }
0xe: {  	[smem:$0x3FB4] =	sst s6  }
0xf: {  	[smem:$0x3FB5] =	sst s7  }
0x10: {  	[smem:$0x3FB6] =	sst s8  }
0x11: {  	[smem:$0x3FB7] =	sst s9;
	s0 =	simm.s32 @!p0 $0x0  }
0x12: {  	s1 =	sld [smem:$0x3F9D];
	s0 =	simm.s32 @p0 $0x1  }
0x13: {  	[smem:$0x3FB8] =	sst s0;
	s0 =	simm.s32 @!p1 $0x0  }
0x14: {  	s2 =	sld [smem:$0x3F9C];
	s0 =	simm.s32 @p1 $0x1  }
0x15: {  	[smem:$0x3FB9] =	sst s0;
	s0 =	simm.s32 @!p2 $0x0  }
0x16: {  	s3 =	sld [smem:$0x3FDB];
	s0 =	simm.s32 @p2 $0x1  }
0x17: {  	s4 =	simm.s32 $0x1BF5;
	[smem:$0x3FBB] =	sst s0  }
0x18: {  	s0 =	sld [smem:$0x3F9E];
	_ =	swait.ge [sflag:s4], $0x0  }
0x19: {  	s7 =	sld [smem:$0x3F9F]  }
0x1a: {  	s8 =	sadd.s32 $0xFFFFE003, lr  }
0x1b: {  	s9 =	sadd.s32 $0xFFFFFEF7, lr;
	s5 =	simm.s32 $0xFFFFFFFF;
	p2 =	slt.u32 s8, $0xFFFFF086  }
0x1c: {  	p1 =	slt.u32 s9, $0xF7A;
	s5 =	simm.s32 @!p2 $0x0  }
0x1d: {  	s5 =	simm.s32 @p1 $0x1;
	p0 =	seq.s32 s7, s2  }
0x1e: {  	s7 =	smul.u32 @!p0 $0xF7A, s2;
	p2 =	seq.s32 @!p0 s5, $0x0  }
0x1f: {  	s9 =	smul.u32 $0xF7A, s1;
	s8 =	simm.s32 @!p0 $0x1BF5;
	p2 =	por !p2, p0  }
0x20: {  	[sflag:s8] =	ssyncset.s32 @!p0 $0xFFFFF086;
	s6 =	sadd.s32 @!p0 s3, s7;
	s7 =	simm.s32 @!p0 $0x108  }
0x21: {  	s3 =	sadd.s32 s3, s9;
	s6 =	sadd.s32 @!p0 $0x88, s6;
	s7 =	simm.s32 @p2 $0x1082  }
0x22: {  	[simem:s7], [sflag:s8] =	dma.local @!p0 [hbm:s6], $0xF7A  }
0x23: {  	s9 =	sor.u32 $0xD0000000, s2;
	s6 =	simm.s32 $0x108;
	_ =	swait.ge @!p0 [sflag:s8], $0x0  }
0x24: {  	s3 =	sadd.s32 $0x88, s3;
	s6 =	simm.s32 @!p1 $0x1082;
	[sflag:s4] =	ssyncset.s32 $0xFFFFF086  }
0x25: {  	[simem:s6], [sflag:s4] =	dma.local [hbm:s3], $0xF7A  }
0x26: {  	[smem:$0x3F9F] =	sst s1;
	(tag) =	ssettag s2;
	_ =	strace s9  }
0x27: {  	s1 =	sld [smem:$0x3FAF]  }
0x28: {  	s2 =	sld [smem:$0x3FB0]  }
0x29: {  	s4 =	sld [smem:$0x3FB2]  }
0x2a: {  	p0 =	seq.s32 s5, $0x0;
	s5 =	sld [smem:$0x3FB3]  }
0x2b: {  	s6 =	sld [smem:$0x3FB4]  }
0x2c: {  	s7 =	sld [smem:$0x3FB5]  }
0x2d: {  	s3 =	simm.s32 $0x108;
	s8 =	sld [smem:$0x3FB6]  }
0x2e: {  	s3 =	simm.s32 @!p0 $0x1082;
	s9 =	sld [smem:$0x3FB7]  }
0x2f: {  	lr =	sadd.s32 s0, s3;
	s0 =	sld [smem:$0x3FAE]  }
0x30: {  	s3 =	sld [smem:$0x3FB1]  }
0x31: {  	[smem:$0x3FBA] =	sst s10  }
0x32: {  	s10 =	sld [smem:$0x3FB8];
	_ =	sdelay $0x3  }
0x33: {  	p0 =	seq.s32 s10, $0x1;
	s10 =	sld [smem:$0x3FBA];
	_ =	sdelay $0x3  }
0x34: {  	[smem:$0x3FBA] =	sst s10  }
0x35: {  	s10 =	sld [smem:$0x3FB9];
	_ =	sdelay $0x3  }
0x36: {  	p1 =	seq.s32 s10, $0x1;
	s10 =	sld [smem:$0x3FBA];
	_ =	sdelay $0x3  }
0x37: {  	[smem:$0x3FBA] =	sst s10  }
0x38: {  	s10 =	sld [smem:$0x3FBB]  }
0x39: {  	_ = 	snop;
	(pc) =	sbr.ind lr, $3  }
0x3a: {  	_ = 	snop  }
0x3b: {  	_ = 	snop  }
0x3c: {  	p2 =	seq.s32 s10, $0x1;
	s10 =	sld [smem:$0x3FBA]  }
0x3d: {  	_ =	shalt  }
0x3e: {  	_ =	shalt  }
0x3f: {  	_ =	shalt  }
0x40: {  	_ =	shalt  }
0x41: {  	_ =	shalt  }
0x42: {  	_ =	shalt  }
0x43: {  	_ =	shalt  }
0x44: {  	_ =	shalt  }
0x45: {  	_ =	shalt  }
0x46: {  	_ =	shalt  }
0x47: {  	_ =	shalt  }
0x48: {  	_ =	shalt  }
0x49: {  	_ =	shalt  }
0x4a: {  	_ =	shalt  }
0x4b: {  	_ =	shalt  }
0x4c: {  	_ =	shalt  }
0x4d: {  	_ =	shalt  }
0x4e: {  	_ =	shalt  }
0x4f: {  	_ =	shalt  }
0x50: {  	_ =	shalt  }
0x51: {  	_ =	shalt  }
0x52: {  	_ =	shalt  }
0x53: {  	_ =	shalt  }
0x54: {  	_ =	shalt  }
0x55: {  	_ =	shalt  }
0x56: {  	_ =	shalt  }
0x57: {  	_ =	shalt  }
0x58: {  	_ =	shalt  }
0x59: {  	_ =	shalt  }
0x5a: {  	_ =	shalt  }
0x5b: {  	_ =	shalt  }
0x5c: {  	_ =	shalt  }
0x5d: {  	_ =	shalt  }
0x5e: {  	_ =	shalt  }
0x5f: {  	_ =	shalt  }
0x60: {  	_ =	shalt  }
0x61: {  	_ =	shalt  }
0x62: {  	_ =	shalt  }
0x63: {  	_ =	shalt  }
0x64: {  	_ =	shalt  }
0x65: {  	_ =	shalt  }
0x66: {  	_ =	shalt  }
0x67: {  	_ =	shalt  }
0x68: {  	_ =	shalt  }
0x69: {  	_ =	shalt  }
0x6a: {  	_ =	shalt  }
0x6b: {  	_ =	shalt  }
0x6c: {  	_ =	shalt  }
0x6d: {  	_ =	shalt  }
0x6e: {  	_ =	shalt  }
0x6f: {  	_ =	shalt  }
0x70: {  	_ =	shalt  }
0x71: {  	_ =	shalt  }
0x72: {  	_ =	shalt  }
0x73: {  	_ =	shalt  }
0x74: {  	_ =	shalt  }
0x75: {  	_ =	shalt  }
0x76: {  	_ =	shalt  }
0x77: {  	_ =	shalt  }
0x78: {  	_ =	shalt  }
0x79: {  	_ =	shalt  }
0x7a: {  	_ =	shalt  }
0x7b: {  	_ =	shalt  }
0x7c: {  	_ =	shalt  }
0x7d: {  	_ =	shalt  }
0x7e: {  	_ =	shalt  }
0x7f: {  	_ =	shalt  }
0x80: {  	_ =	shalt  }
0x81: {  	_ =	shalt  }
0x82: {  	_ =	shalt  }
0x83: {  	_ =	shalt  }
0x84: {  	_ =	shalt  }
0x85: {  	_ =	shalt  }
0x86: {  	_ =	shalt  }
0x87: {  	_ =	shalt  }
.Lfunc_end0:
.L_simem_size_0:
called_computation.1_lowered:
.L_overlay_start_0:
0x88: {  	s2 =	sld [smem:$0x3FD9]  }
0x89: {  	s3 =	sld [smem:$0x3FFE];
	_ =	sdelay $0x1  }
0x8a: {  	s1 =	srdreg.scid  }
0x8b: {  	s0 =	sand.u32 $0x1, s1  }
0x8c: {  	s17 =	sshll.u32 s0, $0xA;
	s2 =	sadd.s32 s3, s2  }
0x8d: {  	s2 =	sadd.s32 s2, s17  }
0x8e: {  	[smem:$0x3FC6] =	sst s2  }
0x8f: {  	_ = 	snop  }
0x90: {  	s2 =	sld [smem:$0x3FD0];
	(tm) =	ssettm $0x1  }
0x91: {  	s18 =	sld [smem:$0x3FFB];
	_ =	sdelay $0x3  }
0x92: {  	_ =	strace s18  }
0x93: {  	s3 =	sld [smem:$0x3FFC];
	_ =	sdelay $0x3  }
0x94: {  	_ =	strace s3  }
0x95: {  	s3 =	sld [smem:$0x3FFD];
	_ =	sdelay $0x3  }
0x96: {  	_ =	strace s3  }
0x97: {  	_ =	strace $0x8FFFFFFF  }
0x98: {  	s19 =	sld [smem:$0x3FDB];
	_ =	sdelay $0x1  }
0x99: {  	s4 =	simm.s32 $_scs_section_size  }
0x9a: {  	s5 =	simm.s32 $_size__tile_overlayer_lowered;
	s6 =	simm.s32 $_tile_overlayer_lowered  }
0x9b: {  	s22 =	simm.s32 $0x1BFF;
	s21 =	sshll.u32 s6, $0x1;
	s3 =	sadd.s32 s4, s19  }
0x9c: {  	s7 =	simm.s32 $0x0;
	s20 =	sshll.u32 s5, $0x1;
	s5 =	sadd.s32 s21, s3  }
0x9d: {  	[timem:s7], [sflag:s22] =	dma.local [hbm:s5], s20  }
0x9e: {  	_ =	swait.ge [sflag:s22], s20  }
0x9f: {  	s4 =	ssub.s32 $0x0, s20;
	[sflag:s22] =	ssyncset.done $0x0  }
0xa0: {  	[sflag:s22] =	ssyncadd.s32 s4;
	_ =	sdelay $0x1  }
0xa1: {  	s23 =	simm.s32 $0x1B8B  }
0xa2: {  	_ =	swait.ge [sflag:s23], $0x1  }
0xa3: {  	[sflag:s23] =	ssyncset.done $0x0  }
0xa4: {  	s25 =	simm.s32 $0x1B8E;
	s24 =	sld [smem:$0x3FFE];
	[sflag:s23] =	ssyncadd.s32 $0xFFFFFFFF  }
0xa5: {  	s26 =	simm.s32 $execute0_lowered;
	[smem:$0x3FD2] =	sst s25  }
0xa6: {  	s5 =	sshll.u32 s26, $0x1;
	_ =	strace $0x80000049;
	[dreg:$0x1] =	wrdreg $0xFFFFFFFF  }
0xa7: {  	s28 =	simm.s32 $_size_execute0_lowered;
	s3 =	sadd.s32 s3, s5;
	[dreg:$0x0] =	wrdreg $0x0  }
0xa8: {  	s5 =	sshll.u32 s28, $0x1;
	[dreg:$0x2] =	wrdreg s3  }
0xa9: {  	[dreg:$0x3] =	wrdreg s5  }
0xaa: {  	[dreg:$0x4] =	wrdreg $0xC0  }
0xab: {  	_ =	task [dreg:s7], $0x5FFFF  }
0xac: {  	[dreg:$0x1] =	wrdreg $0xFFFFFFFF  }
0xad: {  	[dreg:$0x0] =	wrdreg $0x60  }
0xae: {  	[dreg:$0x2] =	wrdreg s2  }
0xaf: {  	[dreg:$0x3] =	wrdreg s24  }
0xb0: {  	[dreg:$0x4] =	wrdreg $0x9  }
0xb1: {  	_ =	task.clear_ibuf [dreg:s7], $0x5FFFF;
	_ =	strace $0x90000049  }
0xb2: {  	s29 =	simm.s32 $0x9;
	_ =	strace $0x8000004B  }
0xb3: {  	_ =	swait.ge [sflag:s29], $0x1  }
0xb4: {  	[sflag:s29] =	ssyncadd.s32 $0xFFFFFFFF  }
0xb5: {  	_ =	strace $0x9000004B  }
0xb6: {  	_ =	sfence  }
0xb7: {  	s30 =	sld [smem:$0x0];
	_ =	sdelay $0x2  }
0xb8: {  	s31 =	sshll.u32 s1, $0xD;
	s1 =	sshrl.u32 s1, $0x2  }
0xb9: {  	s3 =	sand.u32 $0x4000, s31;
	s1 =	sadd.s32 s1, s30  }
0xba: {  	s0 =	sor.u32 s3, s0;
	s1 =	sshll.u32 s1, $0x11  }
0xbb: {  	s0 =	sor.u32 s1, s0  }
0xbc: {  	s0 =	sadd.s32 $0x8F2B, s0  }
0xbd: {  	[sflag:s0] =	ssyncadd.remote.s32 $0x1  }
0xbe: {  	_ =	sfence.sel $0xFFFF  }
0xbf: {  	[dreg:$0x0] =	wrdreg $0xFFFFFFFF;
	(pc) =	sbr.abs _section_cstart, $3  }
0xc0: {  	[dreg:$0x1] =	wrdreg $0xFFFFFFFF  }
0xc1: {  	_ =	task.clear_ibuf [dreg:s7], $0x2FFFF;
	_ =	strace $0x9FFFFFFF  }
0xc2: {  	(tm) =	ssettm $0x7FFFFFFF  }
0xc3: {  	_ =	shalt  }
tec
execute0_lowered:
.L_overlay_start_1:
0x0: {  	(tag) =	ssettag $0x1  }
0x1: {  	s4 =	rddreg [dreg:$0x0]  }
0x2: {  	s5 =	rddreg [dreg:$0x1]  }
0x3: {  	s0 =	rddreg [dreg:$0x2]  }
0x4: {  	s1 =	stileid.u32;
	s3 =	srdreg.scid  }
0x5: {  	s2 =	simm.s32 $0x0;
	s11 =	simm.s32 $0x7200;
	s12 =	simm.s32 $0x9200  }
0x6: {  	s13 =	simm.s32 $0x1;
	s14 =	simm.s32 $0x0;
	s6 =	sand.u32 $0x1, s3  }
0x7: {  	s29 =	sshll.u32 s1, $0x1;
	[smem:$0x7FF] =	sst s2;
	s7 =	smul.u32 $0x32000, s1  }
0x8: {  	s3 =	sor.u32 s6, s29;
	s8 =	ssub.s32 $0x2, s6;
	s6 =	smul.u32 $0x19000, s6  }
0x9: {  	_ =	strace $0x8000004A;
	s9 =	smul.u32 $0x3200, s3;
	s10 =	sshrl.u32 s8, $0x1  }
0xa: {  	s3 =	sadd.s32 $0x21000, s5;
	s7 =	sadd.s32 s7, s5;
	s30 =	ssub.s32 s8, s10  }
0xb: {  	s6 =	sadd.s32 s6, s7;
	s7 =	simm.s32 $0x2;
	s8 =	simm.s32 $0x80  }
0xc: {  	s10 =	simm.s32 $0x5200;
	s31 =	sshrl.u32 s9, $0x3;
	s5 =	smax.u32 s30, $0x1  }
0xd: {  	s6 =	sadd.s32 $0x7C2200, s6;
	s9 =	simm.s32 $0x3200;
	s4 =	sadd.s32 s4, s31  }
.LBB2_1:
0xe: {  	[tilespmem:s2], [sflag:$0x2] =	stream.linear.gather [hbm4b:s4+s2], $0x3200, $0x38;
	[tilespmem:$0xB200] =	vst v63  }
0xf: {  	_ =	swait.ge [sflag:s7], $0x3200  }
0x10: {  	[sflag:s7] =	ssyncset.done $0x0  }
0x11: {  	s15 =	simm.s32 $0x0;
	[sflag:s7] =	ssyncadd.s32 $0xFFFFCE00  }
0x12: {  	[tilespmem:s9], [sflag:$0x1] =	stream.indirect.gather [hbm4b:s3+s8], $0x40, s15, s8, $0xb8;
	[tilespmem:$0xB200] =	vst v63  }
0x13: {  	s28 =	simm.s32 $0x80  }
0x14: {  	[tilespmem:s10], [sflag:$0x1] =	stream.indirect.gather [hbm4b:s3+s8], $0x40, s28, s8, $0xb8;
	[tilespmem:$0xB200] =	vst v63  }
0x15: {  	s29 =	simm.s32 $0x100  }
0x16: {  	[tilespmem:s11], [sflag:$0x1] =	stream.indirect.gather [hbm4b:s3+s8], $0x40, s29, s8, $0xb8;
	[tilespmem:$0xB200] =	vst v63  }
0x17: {  	s30 =	simm.s32 $0x180  }
0x18: {  	[tilespmem:s12], [sflag:$0x1] =	stream.indirect.gather [hbm4b:s3+s8], $0x40, s30, s8, $0xb8;
	[tilespmem:$0xB200] =	vst v63  }
0x19: {  	_ =	swait.ge [sflag:s13], $0x2000  }
0x1a: {  	[sflag:s13] =	ssyncset.done $0x0  }
0x1b: {  	[sflag:s13] =	ssyncadd.s32 $0xFFFFE000  }
0x1c: {  	_ =	swait.ge [sflag:s13], $0x2000  }
0x1d: {  	[sflag:s13] =	ssyncset.done $0x0  }
0x1e: {  	[sflag:s13] =	ssyncadd.s32 $0xFFFFE000  }
0x1f: {  	_ =	swait.ge [sflag:s13], $0x2000  }
0x20: {  	[sflag:s13] =	ssyncset.done $0x0  }
0x21: {  	[sflag:s13] =	ssyncadd.s32 $0xFFFFE000  }
0x22: {  	_ =	swait.ge [sflag:s13], $0x2000  }
0x23: {  	[sflag:s13] =	ssyncset.done $0x0  }
0x24: {  	s31 =	sadd.s32 $0x0, s6;
	[sflag:s13] =	ssyncadd.s32 $0xFFFFE000  }
0x25: {  	[hbm4b:s31+s2] =	stream.linear.scatter [tilespmem:s9], [sflag:$0x2], $0x8000, $0x38;
	[tilespmem:$0xB200] =	vst v63  }
0x26: {  	s17 =	simm.s32 $0x2000;
	_ =	swait.ge [sflag:s7], $0x8000  }
0x27: {  	s16 =	simm.s32 $0x380;
	s15 =	simm.s32 $0x1000;
	[sflag:s7] =	ssyncset.done $0x0  }
.LBB2_2:
0x28: {  	p0 =	sne.s32 s17, $0x18000;
	s18 =	sadd.s32 $0xFFFFFE80, s16;
	[sflag:s7] =	ssyncadd.s32 $0xFFFF8000  }
0x29: {  	[tilespmem:s9], [sflag:$0x1] =	stream.indirect.gather [hbm4b:s3+s8], $0x40, s18, s8, $0xb8;
	[tilespmem:$0xB200] =	vst v63  }
0x2a: {  	s19 =	smov.u32 s17;
	s17 =	sadd.s32 $0x1000, s17;
	s18 =	sadd.s32 $0xFFFFFF00, s16  }
0x2b: {  	[tilespmem:s10], [sflag:$0x1] =	stream.indirect.gather [hbm4b:s3+s8], $0x40, s18, s8, $0xb8;
	[tilespmem:$0xB200] =	vst v63  }
0x2c: {  	s18 =	sadd.s32 $0xFFFFFF80, s16  }
0x2d: {  	[tilespmem:s11], [sflag:$0x1] =	stream.indirect.gather [hbm4b:s3+s8], $0x40, s18, s8, $0xb8;
	[tilespmem:$0xB200] =	vst v63  }
0x2e: {  	_ = 	snop  }
0x2f: {  	[tilespmem:s12], [sflag:$0x1] =	stream.indirect.gather [hbm4b:s3+s8], $0x40, s16, s8, $0xb8;
	[tilespmem:$0xB200] =	vst v63  }
0x30: {  	_ =	swait.ge [sflag:s13], $0x2000  }
0x31: {  	[sflag:s13] =	ssyncset.done $0x0  }
0x32: {  	[sflag:s13] =	ssyncadd.s32 $0xFFFFE000  }
0x33: {  	_ =	swait.ge [sflag:s13], $0x2000  }
0x34: {  	[sflag:s13] =	ssyncset.done $0x0  }
0x35: {  	[sflag:s13] =	ssyncadd.s32 $0xFFFFE000  }
0x36: {  	_ =	swait.ge [sflag:s13], $0x2000  }
0x37: {  	[sflag:s13] =	ssyncset.done $0x0  }
0x38: {  	[sflag:s13] =	ssyncadd.s32 $0xFFFFE000  }
0x39: {  	_ =	swait.ge [sflag:s13], $0x2000  }
.Ltmp0:
0x3a: {  	[sflag:s13] =	ssyncset.done $0x0;
	(pc) =	sbr.rel @p0 .LBB2_2-.Ltmp0, $4  }
0x3b: {  	s18 =	sadd.s32 s15, s6;
	s15 =	smov.u32 s19;
	[sflag:s13] =	ssyncadd.s32 $0xFFFFE000  }
0x3c: {  	[hbm4b:s18+s2] =	stream.linear.scatter [tilespmem:s9], [sflag:$0x2], $0x8000, $0x38;
	[tilespmem:$0xB200] =	vst v63  }
0x3d: {  	_ =	swait.ge [sflag:s7], $0x8000  }
0x3e: {  	s16 =	sadd.s32 $0x200, s16;
	[sflag:s7] =	ssyncset.done $0x0  }
0x3f: {  	s17 =	sadd.s32 $0xFFFFFE80, s16;
	[sflag:s7] =	ssyncadd.s32 $0xFFFF8000  }
0x40: {  	[tilespmem:s9], [sflag:$0x1] =	stream.indirect.gather [hbm4b:s3+s8], $0x40, s17, s8, $0xb8;
	[tilespmem:$0xB200] =	vst v63  }
0x41: {  	s30 =	sadd.s32 $0xFFFFFF00, s16  }
0x42: {  	[tilespmem:s10], [sflag:$0x1] =	stream.indirect.gather [hbm4b:s3+s8], $0x40, s30, s8, $0xb8;
	[tilespmem:$0xB200] =	vst v63  }
0x43: {  	s31 =	sadd.s32 $0xFFFFFF80, s16  }
0x44: {  	[tilespmem:s11], [sflag:$0x1] =	stream.indirect.gather [hbm4b:s3+s8], $0x40, s31, s8, $0xb8;
	[tilespmem:$0xB200] =	vst v63  }
0x45: {  	_ = 	snop  }
0x46: {  	[tilespmem:s12], [sflag:$0x1] =	stream.indirect.gather [hbm4b:s3+s8], $0x40, s16, s8, $0xb8;
	[tilespmem:$0xB200] =	vst v63  }
0x47: {  	_ =	swait.ge [sflag:s13], $0x2000  }
0x48: {  	[sflag:s13] =	ssyncset.done $0x0  }
0x49: {  	[sflag:s13] =	ssyncadd.s32 $0xFFFFE000  }
0x4a: {  	_ =	swait.ge [sflag:s13], $0x2000  }
0x4b: {  	[sflag:s13] =	ssyncset.done $0x0  }
0x4c: {  	[sflag:s13] =	ssyncadd.s32 $0xFFFFE000  }
0x4d: {  	_ =	swait.ge [sflag:s13], $0x2000  }
0x4e: {  	[sflag:s13] =	ssyncset.done $0x0  }
0x4f: {  	[sflag:s13] =	ssyncadd.s32 $0xFFFFE000  }
0x50: {  	s14 =	sadd.s32 $0x1, s14;
	_ =	swait.ge [sflag:s13], $0x2000  }
0x51: {  	p0 =	sne.s32 s14, s5;
	[sflag:s13] =	ssyncset.done $0x0  }
.Ltmp1:
0x52: {  	s15 =	sadd.s32 s15, s6;
	[sflag:s13] =	ssyncadd.s32 $0xFFFFE000;
	(pc) =	sbr.rel @p0 .LBB2_1-.Ltmp1, $4  }
0x53: {  	[hbm4b:s15+s2] =	stream.linear.scatter [tilespmem:s9], [sflag:$0x2], $0x8000, $0x38;
	[tilespmem:$0xB200] =	vst v63  }
0x54: {  	_ =	swait.ge [sflag:s7], $0x8000  }
0x55: {  	[sflag:s7] =	ssyncset.done $0x0  }
0x56: {  	[sflag:s7] =	ssyncadd.s32 $0xFFFF8000  }
0x57: {  	_ =	sfence.sel $0x180000  }
0x58: {  	[bflag:$0x0] =	sbarrier.arrive $0xFFFF  }
0x59: {  	p0 =	sne.s32 s1, $0x0;
	_ =	strace $0x9000004A  }
0x5a: {  	s0 =	sadd.s32 @!p0 $0x100000, s0;
	[bflag:$0x2] =	sbarrier.arrive $0xFFFF  }
0x5b: {  	[sflag:s0] =	ssyncadd.tile.s32 @!p0 $0x1;
	_ =	shalt  }
.Lfunc_end2:
_tile_overlayer_lowered:
.L_overlay_start_2:
0x5c: {  	(tag) =	ssettag $0x2  }
0x5d: {  	s0 =	rddreg [dreg:$0x0];
	s2 =	stileid.u32  }
0x5e: {  	s1 =	rddreg [dreg:$0x1];
	p0 =	sne.s32 s2, $0x0  }
0x5f: {  	s3 =	rddreg [dreg:$0x2];
	[bflag:$0x3] =	sbarrier.arrive $0xFFFF;
	s2 =	simm.s32 @!p0 $0x1C02  }
0x60: {  	[timem:s3], [sflag:s2] =	dma.local @!p0 [hbm:s0], s1  }
0x61: {  	s0 =	simm.s32 @!p0 $0x2  }
0x62: {  	_ =	swait.ge @!p0 [sflag:s0], s1  }
0x63: {  	s1 =	ssub.s32 @!p0 $0x0, s1;
	[sflag:s0] =	ssyncset.done @!p0 $0x0  }
0x64: {  	[sflag:s0] =	ssyncadd.s32 @!p0 s1  }
0x65: {  	[bflag:$0x3] =	sbarrier.arrive $0xFFFF  }
0x66: {  	_ =	shalt  }

</sc_bundles>
